<compile_context>
chip_gen: v7x
topology: tpu7x:2x2x1
jax: 0.10.2.dev20260603
libtpu: 0.0.44.dev20260713+nightly
codegen_flags: <defaults>
</compile_context>

<pallas_src>
import functools

import jax
import jax.numpy as jnp
from jax import lax
from jax.experimental import pallas as pl
from jax.experimental.pallas import tpu as pltpu
from jax.experimental.pallas import tpu_sc as plsc

VX, VY = 0.16, 0.16
X_OFF = 0.16 / 2 + 0.0
Y_OFF = 0.16 / 2 + (-39.68)
X_L = int((69.12 - 0.0) / 0.16) + 1
Y_L = int((39.68 - (-39.68)) / 0.16) + 1
OUT_C = 64
EPS = 1e-3
NBATCH = 4
NPTS = 32

XPAD = 448
PLANE = Y_L * XPAD
ROWS = NBATCH * PLANE
HALF = ROWS // 2
NTILES = 32
RPT = HALF // 16
ZCH = 256
ZFULL = RPT // ZCH
ZREM = RPT - ZFULL * ZCH

CH = 128
PB = 2048
P_PAD = 40960
PPC = P_PAD // 2
PPT = P_PAD // NTILES
SCH = PPT // 128


def _encode_body(x_ref, y_ref, z_ref, r_ref, aux_ref, a_ref, b_ref, bn_ref,
                 out_ref):
    x = x_ref[...]
    y = y_ref[...]
    z = z_ref[...]
    r = r_ref[...]
    npts = aux_ref[0:1, :]
    amat = a_ref[...]
    v = jnp.full((OUT_C, PB), -1e30, dtype=jnp.float32)
    for n in range(NPTS):
        g = jnp.concatenate(
            [x[n:n + 1], y[n:n + 1], z[n:n + 1], r[n:n + 1]], axis=0)
        d = jnp.dot(amat, g, preferred_element_type=jnp.float32)
        d = jnp.where(npts > float(n), d, -1e30)
        v = jnp.maximum(v, d)
    inv = aux_ref[1:2, :]
    sx = jnp.sum(x, axis=0, keepdims=True)
    sy = jnp.sum(y, axis=0, keepdims=True)
    sz = jnp.sum(z, axis=0, keepdims=True)
    h = jnp.concatenate(
        [sx * inv, sy * inv, sz * inv, aux_ref[2:3, :], aux_ref[3:4, :]],
        axis=0)
    c = jnp.dot(b_ref[...], h, preferred_element_type=jnp.float32)
    m = v + c
    m = jnp.where(npts < float(NPTS), jnp.maximum(m, 0.0), m)
    res = jnp.maximum(m * bn_ref[:, 0:1] + bn_ref[:, 1:2], 0.0)
    out_ref[...] = jnp.concatenate(
        [res.T, jnp.zeros((PB, CH - OUT_C), jnp.float32)], axis=1)


def _encode(xt, yt, zt, rt, aux, a4, b5, bnp):
    grid = (P_PAD // PB,)
    pt_spec = pl.BlockSpec((NPTS, PB), lambda i: (0, i))
    return pl.pallas_call(
        _encode_body,
        grid=grid,
        in_specs=[
            pt_spec, pt_spec, pt_spec, pt_spec,
            pl.BlockSpec((4, PB), lambda i: (0, i)),
            pl.BlockSpec((OUT_C, 4), lambda i: (0, 0)),
            pl.BlockSpec((OUT_C, 5), lambda i: (0, 0)),
            pl.BlockSpec((OUT_C, 2), lambda i: (0, 0)),
        ],
        out_specs=pl.BlockSpec((PB, CH), lambda i: (i, 0)),
        out_shape=jax.ShapeDtypeStruct((P_PAD, CH), jnp.float32),
    )(xt, yt, zt, rt, aux, a4, b5, bnp)


def _scatter_body(vals_hbm, idx_hbm, zrows_hbm, mid_hbm, vals_v, idx_v, zbuf):
    cid = lax.axis_index("c")
    sid = lax.axis_index("s")
    wid = cid * 16 + sid
    pltpu.sync_copy(zrows_hbm, zbuf)
    zbase = cid * HALF + sid * RPT

    def zloop(k, carry):
        pltpu.sync_copy(zbuf, mid_hbm.at[pl.ds(zbase + k * ZCH, ZCH)])
        return carry

    lax.fori_loop(0, ZFULL, zloop, 0)
    pltpu.sync_copy(zbuf.at[pl.ds(0, ZREM)],
                    mid_hbm.at[pl.ds(zbase + ZFULL * ZCH, ZREM)])
    plsc.subcore_barrier()
    pltpu.sync_copy(idx_hbm.at[wid], idx_v)
    for j in range(SCH):
        pltpu.sync_copy(vals_hbm.at[pl.ds(wid * PPT + j * 128, 128)], vals_v)
        pltpu.sync_copy(vals_v, mid_hbm.at[idx_v.at[j]])


@functools.lru_cache(maxsize=None)
def _make_scatter():
    mesh = plsc.VectorSubcoreMesh(
        core_axis_name="c", subcore_axis_name="s", num_cores=2,
        num_subcores=16)
    return functools.partial(
        pl.kernel,
        out_type=jax.ShapeDtypeStruct((ROWS, CH), jnp.float32),
        mesh=mesh,
        scratch_types=[
            pltpu.VMEM((128, CH), jnp.float32),
            pltpu.VMEM((SCH, 128), jnp.int32),
            pltpu.VMEM((ZCH, CH), jnp.float32),
        ],
    )(_scatter_body)


YB = 8


def _transpose_body(mid_ref, out_ref):
    for yy in range(YB):
        v = mid_ref[0, yy]
        out_ref[0, :, yy, :] = v.T[:OUT_C, :X_L]


def _transpose(mid4):
    return pl.pallas_call(
        _transpose_body,
        grid=(NBATCH, (Y_L + YB - 1) // YB),
        in_specs=[
            pl.BlockSpec((1, YB, XPAD, CH), lambda b, y: (b, y, 0, 0))
        ],
        out_specs=pl.BlockSpec((1, OUT_C, YB, X_L), lambda b, y: (b, 0, y, 0)),
        out_shape=jax.ShapeDtypeStruct((NBATCH, OUT_C, Y_L, X_L),
                                       jnp.float32),
    )(mid4)


def _pad_halves(a, fill=0.0):
    h = a.shape[-1] // 2
    z = jnp.full(a.shape[:-1] + (PPC - h,), fill, dtype=a.dtype)
    return jnp.concatenate([a[..., :h], z, a[..., h:], z], axis=-1)


def kernel(pillars, coors_batch, npoints_per_pillar, W, gamma, beta, bn_mean,
           bn_var):
    p = pillars.shape[0]
    npts = jnp.clip(npoints_per_pillar, 1, None).astype(jnp.float32)
    inv = 1.0 / npts
    cx = coors_batch[:, 1].astype(jnp.float32)
    cy = coors_batch[:, 2].astype(jnp.float32)
    aux = jnp.stack([npts, inv, cx * VX + X_OFF, cy * VY + Y_OFF], axis=0)
    xt = pillars[:, :, 0].T
    yt = pillars[:, :, 1].T
    zt = pillars[:, :, 2].T
    rt = pillars[:, :, 3].T
    a4 = jnp.stack(
        [W[:, 0] + W[:, 4] + W[:, 7], W[:, 1] + W[:, 5] + W[:, 8],
         W[:, 2] + W[:, 6], W[:, 3]], axis=1)
    b5 = -W[:, 4:9]
    scale = gamma / jnp.sqrt(bn_var + EPS)
    shift = beta - bn_mean * scale
    bnp = jnp.stack([scale, shift], axis=1)

    pooled = _encode(
        _pad_halves(xt), _pad_halves(yt), _pad_halves(zt), _pad_halves(rt),
        _pad_halves(aux), a4, b5, bnp)

    b = coors_batch[:, 0].astype(jnp.int32)
    row = (b * PLANE + coors_batch[:, 2].astype(jnp.int32) * XPAD
           + coors_batch[:, 1].astype(jnp.int32))
    h = p // 2
    npad = PPC - h
    dump0 = jnp.full((npad,), 1 * PLANE + X_L, jnp.int32)
    dump1 = jnp.full((npad,), 3 * PLANE + X_L, jnp.int32)
    rows_p = jnp.concatenate([row[:h], dump0, row[h:], dump1])
    idx3 = rows_p.reshape(NTILES, SCH, 128)

    mid = _make_scatter()(pooled, idx3, jnp.zeros((ZCH, CH), jnp.float32))
    return _transpose(mid.reshape(NBATCH, Y_L, XPAD, CH))

# --- scband reference (transcript-rebuilt; emitter-appended) ---
"""Pipeline reference for scband-pillar-encoder-83537113907642 (READ-ONLY COPY).

The authoritative reference and input builder live on the scoring server;
editing this copy changes nothing except your own understanding.
"""

import jax, jax.numpy as jnp
import numpy as np

VX, VY = 0.16, 0.16
X_OFF = 0.16 / 2 + 0.0
Y_OFF = 0.16 / 2 + (-39.68)
X_L = int((69.12 - 0.0) / 0.16) + 1
Y_L = int((39.68 - (-39.68)) / 0.16) + 1
OUT_C = 64
EPS = 1e-3
BS = 4


def setup_inputs(seed: int = 0) -> dict:
    rng = np.random.default_rng(0)
    bs, ppb, npts_max = 4, 10000, 32
    P = bs * ppb
    x = rng.uniform(0.0, 69.12, (P, npts_max, 1))
    y = rng.uniform(-39.68, 39.68, (P, npts_max, 1))
    z = rng.uniform(-3.0, 1.0, (P, npts_max, 1))
    r = rng.uniform(0.0, 1.0, (P, npts_max, 1))
    pillars = np.concatenate([x, y, z, r], axis=-1).astype(np.float32)
    coors = []
    for b in range(bs):
        lin = rng.choice(X_L * Y_L, size=ppb, replace=False)
        cx = (lin // Y_L).astype(np.int64)
        cy = (lin % Y_L).astype(np.int64)
        cb = np.full(ppb, b, dtype=np.int64)
        cz = np.zeros(ppb, dtype=np.int64)
        coors.append(np.stack([cb, cx, cy, cz], axis=1))
    coors_batch = np.concatenate(coors, axis=0).astype(np.int64)
    npoints = rng.integers(1, npts_max + 1, size=(P,)).astype(np.int64)
    key = jax.random.key(seed)
    k1, k2, k3 = jax.random.split(key, 3)
    W = jax.random.normal(k1, (OUT_C, 9), dtype=jnp.float32) * 0.1
    gamma = jax.random.uniform(k2, (OUT_C,), dtype=jnp.float32, minval=0.5, maxval=1.5)
    beta = jax.random.normal(k3, (OUT_C,), dtype=jnp.float32) * 0.1
    bn_mean = jnp.zeros((OUT_C,), dtype=jnp.float32)
    bn_var = jnp.ones((OUT_C,), dtype=jnp.float32)
    return {
        'pillars': jnp.asarray(pillars),
        'coors_batch': jnp.asarray(coors_batch),
        'npoints_per_pillar': jnp.asarray(npoints),
        'W': W,
        'gamma': gamma,
        'beta': beta,
        'bn_mean': bn_mean,
        'bn_var': bn_var,
    }


def reference(pillars, coors_batch, npoints_per_pillar, W, gamma, beta, bn_mean, bn_var):
    npts = jnp.clip(npoints_per_pillar, 1, None)
    pts_sum = jnp.sum(pillars[:, :, :3], axis=1, keepdims=True)
    offset_pt_center = pillars[:, :, :3] - pts_sum / npts[:, None, None].astype(pillars.dtype)
    x_off = pillars[:, :, :1] - (coors_batch[:, None, 1:2].astype(pillars.dtype) * VX + X_OFF)
    y_off = pillars[:, :, 1:2] - (coors_batch[:, None, 2:3].astype(pillars.dtype) * VY + Y_OFF)
    features = jnp.concatenate([pillars, offset_pt_center, x_off, y_off], axis=-1)  # (P, N, 9)
    voxel_ids = jnp.arange(pillars.shape[1])
    mask = voxel_ids[None, :] < npts[:, None]  # (P, N)
    features = features * mask[:, :, None].astype(features.dtype)
    # Conv1d kernel_size=1, no bias: (P, N, 9) x (OUT_C, 9) -> (P, N, OUT_C)
    feats = jnp.einsum('pnc,oc->pno', features, W)
    # BatchNorm1d (eval-mode with running stats)
    feats = (feats - bn_mean) / jnp.sqrt(bn_var + EPS) * gamma + beta
    feats = jax.nn.relu(feats)
    pooled = jnp.max(feats, axis=1)  # (P, OUT_C)
    bs = BS
    canvas = jnp.zeros((bs, X_L, Y_L, OUT_C), dtype=pillars.dtype)
    canvas = canvas.at[coors_batch[:, 0], coors_batch[:, 1], coors_batch[:, 2]].set(pooled)
    return jnp.transpose(canvas, (0, 3, 2, 1))  # (bs, C, y_l, x_l)

if __name__ == "__main__":
    import jax
    _d = setup_inputs()
    print(jax.jit(kernel)(*tuple(_d.values())))

</pallas_src>

<mosaic_0001>
#map = affine_map<(d0, d1) -> (0, 0)>
#map1 = affine_map<(d0, d1) -> (0, 0, 0)>
module attributes {stable_mosaic.version = 14 : i64} {
  func.func @_scatter_body(%arg0: i32, %arg1: i32, %arg2: memref<40960x128xf32, #tpu.memory_space<hbm>>, %arg3: memref<32x10x128xi32, #tpu.memory_space<hbm>>, %arg4: memref<256x128xf32, #tpu.memory_space<hbm>>, %arg5: memref<890624x128xf32, #tpu.memory_space<hbm>>, %arg6: memref<128x128xf32, #tpu.memory_space<vmem>>, %arg7: memref<10x128xi32, #tpu.memory_space<vmem>>, %arg8: memref<256x128xf32, #tpu.memory_space<vmem>>) attributes {dimension_semantics = [#tpu.dimension_semantics<core_parallel>, #tpu.dimension_semantics<subcore_parallel>], iteration_bounds = array<i64: 2, 16>, scalar_prefetch = 0 : i64, scratch_operands = 3 : i64, tpu.core_type = #tpu.core_type<sc_vector_subcore>, window_params = [{transform_indices = #map}, {transform_indices = #map1}, {transform_indices = #map}, {transform_indices = #map}]} {
    %mul3A = arith.constant 16 : i32
    %mul3A_0 = arith.muli %arg0, %mul3A : i32
    %add3A = arith.addi %mul3A_0, %arg1 : i32
    "tpu.region"() ({
      %run_scoped3A_62 = tpu.sem_alloc : memref<!tpu.dma_semaphore, #tpu.memory_space<semaphore_mem>>
      tpu.enqueue_dma source(%arg4 : memref<256x128xf32, #tpu.memory_space<hbm>>) target(%arg8 : memref<256x128xf32, #tpu.memory_space<vmem>>) target_semaphore(%run_scoped3A_62 : memref<!tpu.dma_semaphore, #tpu.memory_space<semaphore_mem>>)
      tpu.wait_dma2 semaphore(%run_scoped3A_62 : memref<!tpu.dma_semaphore, #tpu.memory_space<semaphore_mem>>) src(%arg4 : memref<256x128xf32, #tpu.memory_space<hbm>>) dst(%arg8 : memref<256x128xf32, #tpu.memory_space<vmem>>)
      tpu.yield
    }) : () -> ()
    %mul3A_1 = arith.constant 445312 : i32
    %mul3A_2 = arith.muli %arg0, %mul3A_1 : i32
    %mul3A_3 = arith.constant 27832 : i32
    %mul3A_4 = arith.muli %arg1, %mul3A_3 : i32
    %add3A_5 = arith.addi %mul3A_2, %mul3A_4 : i32
    %scan3A = arith.constant 0 : i32
    %scan3A_6 = arith.constant 0 : i32
    %scan3A_7 = arith.constant 108 : i32
    %scan3A_8 = arith.addi %scan3A_6, %scan3A_7 : i32
    %scan3A_9 = arith.constant 1 : i32
    scf.for %scan3A_62 = %scan3A_6 to %scan3A_8 step %scan3A_9  : i32 {
      %mul3A_63 = arith.constant 256 : i32
      %mul3A_64 = arith.muli %scan3A_62, %mul3A_63 : i32
      %add3A_65 = arith.addi %add3A_5, %mul3A_64 : i32
      "tpu.region"() ({
        %run_scoped3A_66 = tpu.sem_alloc : memref<!tpu.dma_semaphore, #tpu.memory_space<semaphore_mem>>
        %dma_start3A = arith.constant 0 : i32
        %dma_start3A_67 = tpu.memref_slice %arg5[%add3A_65, %dma_start3A] : memref<890624x128xf32, #tpu.memory_space<hbm>> -> memref<256x128xf32, #tpu.memory_space<hbm>>
        %dma_start3A_68 = arith.constant 0 : i32
        %dma_start3A_69 = tpu.memref_slice %arg5[%add3A_65, %dma_start3A_68] : memref<890624x128xf32, #tpu.memory_space<hbm>> -> memref<256x128xf32, #tpu.memory_space<hbm>>
        tpu.enqueue_dma source(%arg8 : memref<256x128xf32, #tpu.memory_space<vmem>>) target(%dma_start3A_69 : memref<256x128xf32, #tpu.memory_space<hbm>>) target_semaphore(%run_scoped3A_66 : memref<!tpu.dma_semaphore, #tpu.memory_space<semaphore_mem>>)
        %dma_wait3A = arith.constant 0 : i32
        %dma_wait3A_70 = tpu.memref_slice %arg5[%add3A_65, %dma_wait3A] : memref<890624x128xf32, #tpu.memory_space<hbm>> -> memref<256x128xf32, #tpu.memory_space<hbm>>
        %dma_wait3A_71 = arith.constant 0 : i32
        %dma_wait3A_72 = tpu.memref_slice %arg5[%add3A_65, %dma_wait3A_71] : memref<890624x128xf32, #tpu.memory_space<hbm>> -> memref<256x128xf32, #tpu.memory_space<hbm>>
        tpu.wait_dma2 semaphore(%run_scoped3A_66 : memref<!tpu.dma_semaphore, #tpu.memory_space<semaphore_mem>>) src(%arg8 : memref<256x128xf32, #tpu.memory_space<vmem>>) dst(%dma_wait3A_72 : memref<256x128xf32, #tpu.memory_space<hbm>>)
        tpu.yield
      }) : () -> ()
    }
    %scan3A_10 = arith.constant 108 : i32
    %add3A_11 = arith.constant 27648 : i32
    %add3A_12 = arith.addi %add3A_5, %add3A_11 : i32
    "tpu.region"() ({
      %run_scoped3A_62 = tpu.sem_alloc : memref<!tpu.dma_semaphore, #tpu.memory_space<semaphore_mem>>
      %dma_start3A = arith.constant 0 : i32
      %dma_start3A_63 = arith.constant 0 : i32
      %dma_start3A_64 = tpu.memref_slice %arg8[%dma_start3A, %dma_start3A_63] : memref<256x128xf32, #tpu.memory_space<vmem>> -> memref<184x128xf32, #tpu.memory_space<vmem>>
      %dma_start3A_65 = arith.constant 0 : i32
      %dma_start3A_66 = tpu.memref_slice %arg5[%add3A_12, %dma_start3A_65] : memref<890624x128xf32, #tpu.memory_space<hbm>> -> memref<184x128xf32, #tpu.memory_space<hbm>>
      %dma_start3A_67 = arith.constant 0 : i32
      %dma_start3A_68 = tpu.memref_slice %arg5[%add3A_12, %dma_start3A_67] : memref<890624x128xf32, #tpu.memory_space<hbm>> -> memref<184x128xf32, #tpu.memory_space<hbm>>
      %dma_start3A_69 = arith.constant 0 : i32
      %dma_start3A_70 = arith.constant 0 : i32
      %dma_start3A_71 = tpu.memref_slice %arg8[%dma_start3A_69, %dma_start3A_70] : memref<256x128xf32, #tpu.memory_space<vmem>> -> memref<184x128xf32, #tpu.memory_space<vmem>>
      tpu.enqueue_dma source(%dma_start3A_71 : memref<184x128xf32, #tpu.memory_space<vmem>>) target(%dma_start3A_68 : memref<184x128xf32, #tpu.memory_space<hbm>>) target_semaphore(%run_scoped3A_62 : memref<!tpu.dma_semaphore, #tpu.memory_space<semaphore_mem>>)
      %dma_wait3A = arith.constant 0 : i32
      %dma_wait3A_72 = arith.constant 0 : i32
      %dma_wait3A_73 = tpu.memref_slice %arg8[%dma_wait3A, %dma_wait3A_72] : memref<256x128xf32, #tpu.memory_space<vmem>> -> memref<184x128xf32, #tpu.memory_space<vmem>>
      %dma_wait3A_74 = arith.constant 0 : i32
      %dma_wait3A_75 = tpu.memref_slice %arg5[%add3A_12, %dma_wait3A_74] : memref<890624x128xf32, #tpu.memory_space<hbm>> -> memref<184x128xf32, #tpu.memory_space<hbm>>
      %dma_wait3A_76 = arith.constant 0 : i32
      %dma_wait3A_77 = tpu.memref_slice %arg5[%add3A_12, %dma_wait3A_76] : memref<890624x128xf32, #tpu.memory_space<hbm>> -> memref<184x128xf32, #tpu.memory_space<hbm>>
      %dma_wait3A_78 = arith.constant 0 : i32
      %dma_wait3A_79 = arith.constant 0 : i32
      %dma_wait3A_80 = tpu.memref_slice %arg8[%dma_wait3A_78, %dma_wait3A_79] : memref<256x128xf32, #tpu.memory_space<vmem>> -> memref<184x128xf32, #tpu.memory_space<vmem>>
      tpu.wait_dma2 semaphore(%run_scoped3A_62 : memref<!tpu.dma_semaphore, #tpu.memory_space<semaphore_mem>>) src(%dma_wait3A_80 : memref<184x128xf32, #tpu.memory_space<vmem>>) dst(%dma_wait3A_77 : memref<184x128xf32, #tpu.memory_space<hbm>>)
      tpu.yield
    }) : () -> ()
    %barrier3A = arith.constant 0 : index
    tpu.barrier barrier_id(%barrier3A)
    "tpu.region"() ({
      %run_scoped3A_62 = tpu.sem_alloc : memref<!tpu.dma_semaphore, #tpu.memory_space<semaphore_mem>>
      %dma_start3A = arith.constant 0 : i32
      %dma_start3A_63 = arith.constant 0 : i32
      %dma_start3A_64 = tpu.memref_slice %arg3[%add3A, %dma_start3A, %dma_start3A_63] : memref<32x10x128xi32, #tpu.memory_space<hbm>> -> memref<1x10x128xi32, #tpu.memory_space<hbm>>
      %dma_start3A_65 = tpu.memref_squeeze %dma_start3A_64 : memref<1x10x128xi32, #tpu.memory_space<hbm>> -> memref<10x128xi32, #tpu.memory_space<hbm>>
      %dma_start3A_66 = arith.constant 0 : i32
      %dma_start3A_67 = arith.constant 0 : i32
      %dma_start3A_68 = tpu.memref_slice %arg3[%add3A, %dma_start3A_66, %dma_start3A_67] : memref<32x10x128xi32, #tpu.memory_space<hbm>> -> memref<1x10x128xi32, #tpu.memory_space<hbm>>
      %dma_start3A_69 = tpu.memref_squeeze %dma_start3A_68 : memref<1x10x128xi32, #tpu.memory_space<hbm>> -> memref<10x128xi32, #tpu.memory_space<hbm>>
      tpu.enqueue_dma source(%dma_start3A_69 : memref<10x128xi32, #tpu.memory_space<hbm>>) target(%arg7 : memref<10x128xi32, #tpu.memory_space<vmem>>) target_semaphore(%run_scoped3A_62 : memref<!tpu.dma_semaphore, #tpu.memory_space<semaphore_mem>>)
      %dma_wait3A = arith.constant 0 : i32
      %dma_wait3A_70 = arith.constant 0 : i32
      %dma_wait3A_71 = tpu.memref_slice %arg3[%add3A, %dma_wait3A, %dma_wait3A_70] : memref<32x10x128xi32, #tpu.memory_space<hbm>> -> memref<1x10x128xi32, #tpu.memory_space<hbm>>
      %dma_wait3A_72 = tpu.memref_squeeze %dma_wait3A_71 : memref<1x10x128xi32, #tpu.memory_space<hbm>> -> memref<10x128xi32, #tpu.memory_space<hbm>>
      %dma_wait3A_73 = arith.constant 0 : i32
      %dma_wait3A_74 = arith.constant 0 : i32
      %dma_wait3A_75 = tpu.memref_slice %arg3[%add3A, %dma_wait3A_73, %dma_wait3A_74] : memref<32x10x128xi32, #tpu.memory_space<hbm>> -> memref<1x10x128xi32, #tpu.memory_space<hbm>>
      %dma_wait3A_76 = tpu.memref_squeeze %dma_wait3A_75 : memref<1x10x128xi32, #tpu.memory_space<hbm>> -> memref<10x128xi32, #tpu.memory_space<hbm>>
      tpu.wait_dma2 semaphore(%run_scoped3A_62 : memref<!tpu.dma_semaphore, #tpu.memory_space<semaphore_mem>>) src(%dma_wait3A_76 : memref<10x128xi32, #tpu.memory_space<hbm>>) dst(%arg7 : memref<10x128xi32, #tpu.memory_space<vmem>>)
      tpu.yield
    }) : () -> ()
    %mul3A_13 = arith.constant 1280 : i32
    %mul3A_14 = arith.muli %add3A, %mul3A_13 : i32
    %add3A_15 = arith.constant 0 : i32
    %add3A_16 = arith.addi %mul3A_14, %add3A_15 : i32
    "tpu.region"() ({
      %run_scoped3A_62 = tpu.sem_alloc : memref<!tpu.dma_semaphore, #tpu.memory_space<semaphore_mem>>
      %dma_start3A = arith.constant 0 : i32
      %dma_start3A_63 = tpu.memref_slice %arg2[%add3A_16, %dma_start3A] : memref<40960x128xf32, #tpu.memory_space<hbm>> -> memref<128x128xf32, #tpu.memory_space<hbm>>
      %dma_start3A_64 = arith.constant 0 : i32
      %dma_start3A_65 = tpu.memref_slice %arg2[%add3A_16, %dma_start3A_64] : memref<40960x128xf32, #tpu.memory_space<hbm>> -> memref<128x128xf32, #tpu.memory_space<hbm>>
      tpu.enqueue_dma source(%dma_start3A_65 : memref<128x128xf32, #tpu.memory_space<hbm>>) target(%arg6 : memref<128x128xf32, #tpu.memory_space<vmem>>) target_semaphore(%run_scoped3A_62 : memref<!tpu.dma_semaphore, #tpu.memory_space<semaphore_mem>>)
      %dma_wait3A = arith.constant 0 : i32
      %dma_wait3A_66 = tpu.memref_slice %arg2[%add3A_16, %dma_wait3A] : memref<40960x128xf32, #tpu.memory_space<hbm>> -> memref<128x128xf32, #tpu.memory_space<hbm>>
      %dma_wait3A_67 = arith.constant 0 : i32
      %dma_wait3A_68 = tpu.memref_slice %arg2[%add3A_16, %dma_wait3A_67] : memref<40960x128xf32, #tpu.memory_space<hbm>> -> memref<128x128xf32, #tpu.memory_space<hbm>>
      tpu.wait_dma2 semaphore(%run_scoped3A_62 : memref<!tpu.dma_semaphore, #tpu.memory_space<semaphore_mem>>) src(%dma_wait3A_68 : memref<128x128xf32, #tpu.memory_space<hbm>>) dst(%arg6 : memref<128x128xf32, #tpu.memory_space<vmem>>)
      tpu.yield
    }) : () -> ()
    %run_scoped3A = arith.constant 0 : i32
    "tpu.region"() ({
      %run_scoped3A_62 = tpu.sem_alloc : memref<!tpu.dma_semaphore, #tpu.memory_space<semaphore_mem>>
      %dma_start3A = arith.constant 0 : i32
      %dma_start3A_63 = tpu.memref_slice %arg7[%run_scoped3A, %dma_start3A] : memref<10x128xi32, #tpu.memory_space<vmem>> -> memref<1x128xi32, #tpu.memory_space<vmem>>
      %dma_start3A_64 = tpu.memref_squeeze %dma_start3A_63 : memref<1x128xi32, #tpu.memory_space<vmem>> -> memref<128xi32, #tpu.memory_space<vmem>>
      %dma_start3A_65 = arith.constant 0 : i32
      %dma_start3A_66 = arith.constant 0 : i32
      %dma_start3A_67 = tpu.memref_slice %arg5[%dma_start3A_65, %dma_start3A_66] : memref<890624x128xf32, #tpu.memory_space<hbm>> -> memref<890624x128xf32, #tpu.memory_space<hbm>>
      tpu.enqueue_indirect_dma source(%arg6 : memref<128x128xf32, #tpu.memory_space<vmem>>) target(%dma_start3A_67 : memref<890624x128xf32, #tpu.memory_space<hbm>>) offsets(%dma_start3A_64 : memref<128xi32, #tpu.memory_space<vmem>>) semaphore(%run_scoped3A_62 : memref<!tpu.dma_semaphore, #tpu.memory_space<semaphore_mem>>)
      %dma_wait3A = arith.constant 0 : i32
      %dma_wait3A_68 = tpu.memref_slice %arg7[%run_scoped3A, %dma_wait3A] : memref<10x128xi32, #tpu.memory_space<vmem>> -> memref<1x128xi32, #tpu.memory_space<vmem>>
      %dma_wait3A_69 = tpu.memref_squeeze %dma_wait3A_68 : memref<1x128xi32, #tpu.memory_space<vmem>> -> memref<128xi32, #tpu.memory_space<vmem>>
      %dma_wait3A_70 = arith.constant 0 : i32
      %dma_wait3A_71 = arith.constant 0 : i32
      %dma_wait3A_72 = tpu.memref_slice %arg5[%dma_wait3A_70, %dma_wait3A_71] : memref<890624x128xf32, #tpu.memory_space<hbm>> -> memref<890624x128xf32, #tpu.memory_space<hbm>>
      tpu.wait_indirect_dma semaphore(%run_scoped3A_62 : memref<!tpu.dma_semaphore, #tpu.memory_space<semaphore_mem>>) src(%arg6 : memref<128x128xf32, #tpu.memory_space<vmem>>) dst(%dma_wait3A_72 : memref<890624x128xf32, #tpu.memory_space<hbm>>)
      tpu.yield
    }) : () -> ()
    %mul3A_17 = arith.constant 1280 : i32
    %mul3A_18 = arith.muli %add3A, %mul3A_17 : i32
    %add3A_19 = arith.constant 128 : i32
    %add3A_20 = arith.addi %mul3A_18, %add3A_19 : i32
    "tpu.region"() ({
      %run_scoped3A_62 = tpu.sem_alloc : memref<!tpu.dma_semaphore, #tpu.memory_space<semaphore_mem>>
      %dma_start3A = arith.constant 0 : i32
      %dma_start3A_63 = tpu.memref_slice %arg2[%add3A_20, %dma_start3A] : memref<40960x128xf32, #tpu.memory_space<hbm>> -> memref<128x128xf32, #tpu.memory_space<hbm>>
      %dma_start3A_64 = arith.constant 0 : i32
      %dma_start3A_65 = tpu.memref_slice %arg2[%add3A_20, %dma_start3A_64] : memref<40960x128xf32, #tpu.memory_space<hbm>> -> memref<128x128xf32, #tpu.memory_space<hbm>>
      tpu.enqueue_dma source(%dma_start3A_65 : memref<128x128xf32, #tpu.memory_space<hbm>>) target(%arg6 : memref<128x128xf32, #tpu.memory_space<vmem>>) target_semaphore(%run_scoped3A_62 : memref<!tpu.dma_semaphore, #tpu.memory_space<semaphore_mem>>)
      %dma_wait3A = arith.constant 0 : i32
      %dma_wait3A_66 = tpu.memref_slice %arg2[%add3A_20, %dma_wait3A] : memref<40960x128xf32, #tpu.memory_space<hbm>> -> memref<128x128xf32, #tpu.memory_space<hbm>>
      %dma_wait3A_67 = arith.constant 0 : i32
      %dma_wait3A_68 = tpu.memref_slice %arg2[%add3A_20, %dma_wait3A_67] : memref<40960x128xf32, #tpu.memory_space<hbm>> -> memref<128x128xf32, #tpu.memory_space<hbm>>
      tpu.wait_dma2 semaphore(%run_scoped3A_62 : memref<!tpu.dma_semaphore, #tpu.memory_space<semaphore_mem>>) src(%dma_wait3A_68 : memref<128x128xf32, #tpu.memory_space<hbm>>) dst(%arg6 : memref<128x128xf32, #tpu.memory_space<vmem>>)
      tpu.yield
    }) : () -> ()
    %run_scoped3A_21 = arith.constant 1 : i32
    "tpu.region"() ({
      %run_scoped3A_62 = tpu.sem_alloc : memref<!tpu.dma_semaphore, #tpu.memory_space<semaphore_mem>>
      %dma_start3A = arith.constant 0 : i32
      %dma_start3A_63 = tpu.memref_slice %arg7[%run_scoped3A_21, %dma_start3A] : memref<10x128xi32, #tpu.memory_space<vmem>> -> memref<1x128xi32, #tpu.memory_space<vmem>>
      %dma_start3A_64 = tpu.memref_squeeze %dma_start3A_63 : memref<1x128xi32, #tpu.memory_space<vmem>> -> memref<128xi32, #tpu.memory_space<vmem>>
      %dma_start3A_65 = arith.constant 0 : i32
      %dma_start3A_66 = arith.constant 0 : i32
      %dma_start3A_67 = tpu.memref_slice %arg5[%dma_start3A_65, %dma_start3A_66] : memref<890624x128xf32, #tpu.memory_space<hbm>> -> memref<890624x128xf32, #tpu.memory_space<hbm>>
      tpu.enqueue_indirect_dma source(%arg6 : memref<128x128xf32, #tpu.memory_space<vmem>>) target(%dma_start3A_67 : memref<890624x128xf32, #tpu.memory_space<hbm>>) offsets(%dma_start3A_64 : memref<128xi32, #tpu.memory_space<vmem>>) semaphore(%run_scoped3A_62 : memref<!tpu.dma_semaphore, #tpu.memory_space<semaphore_mem>>)
      %dma_wait3A = arith.constant 0 : i32
      %dma_wait3A_68 = tpu.memref_slice %arg7[%run_scoped3A_21, %dma_wait3A] : memref<10x128xi32, #tpu.memory_space<vmem>> -> memref<1x128xi32, #tpu.memory_space<vmem>>
      %dma_wait3A_69 = tpu.memref_squeeze %dma_wait3A_68 : memref<1x128xi32, #tpu.memory_space<vmem>> -> memref<128xi32, #tpu.memory_space<vmem>>
      %dma_wait3A_70 = arith.constant 0 : i32
      %dma_wait3A_71 = arith.constant 0 : i32
      %dma_wait3A_72 = tpu.memref_slice %arg5[%dma_wait3A_70, %dma_wait3A_71] : memref<890624x128xf32, #tpu.memory_space<hbm>> -> memref<890624x128xf32, #tpu.memory_space<hbm>>
      tpu.wait_indirect_dma semaphore(%run_scoped3A_62 : memref<!tpu.dma_semaphore, #tpu.memory_space<semaphore_mem>>) src(%arg6 : memref<128x128xf32, #tpu.memory_space<vmem>>) dst(%dma_wait3A_72 : memref<890624x128xf32, #tpu.memory_space<hbm>>)
      tpu.yield
    }) : () -> ()
    %mul3A_22 = arith.constant 1280 : i32
    %mul3A_23 = arith.muli %add3A, %mul3A_22 : i32
    %add3A_24 = arith.constant 256 : i32
    %add3A_25 = arith.addi %mul3A_23, %add3A_24 : i32
    "tpu.region"() ({
      %run_scoped3A_62 = tpu.sem_alloc : memref<!tpu.dma_semaphore, #tpu.memory_space<semaphore_mem>>
      %dma_start3A = arith.constant 0 : i32
      %dma_start3A_63 = tpu.memref_slice %arg2[%add3A_25, %dma_start3A] : memref<40960x128xf32, #tpu.memory_space<hbm>> -> memref<128x128xf32, #tpu.memory_space<hbm>>
      %dma_start3A_64 = arith.constant 0 : i32
      %dma_start3A_65 = tpu.memref_slice %arg2[%add3A_25, %dma_start3A_64] : memref<40960x128xf32, #tpu.memory_space<hbm>> -> memref<128x128xf32, #tpu.memory_space<hbm>>
      tpu.enqueue_dma source(%dma_start3A_65 : memref<128x128xf32, #tpu.memory_space<hbm>>) target(%arg6 : memref<128x128xf32, #tpu.memory_space<vmem>>) target_semaphore(%run_scoped3A_62 : memref<!tpu.dma_semaphore, #tpu.memory_space<semaphore_mem>>)
      %dma_wait3A = arith.constant 0 : i32
      %dma_wait3A_66 = tpu.memref_slice %arg2[%add3A_25, %dma_wait3A] : memref<40960x128xf32, #tpu.memory_space<hbm>> -> memref<128x128xf32, #tpu.memory_space<hbm>>
      %dma_wait3A_67 = arith.constant 0 : i32
      %dma_wait3A_68 = tpu.memref_slice %arg2[%add3A_25, %dma_wait3A_67] : memref<40960x128xf32, #tpu.memory_space<hbm>> -> memref<128x128xf32, #tpu.memory_space<hbm>>
      tpu.wait_dma2 semaphore(%run_scoped3A_62 : memref<!tpu.dma_semaphore, #tpu.memory_space<semaphore_mem>>) src(%dma_wait3A_68 : memref<128x128xf32, #tpu.memory_space<hbm>>) dst(%arg6 : memref<128x128xf32, #tpu.memory_space<vmem>>)
      tpu.yield
    }) : () -> ()
    %run_scoped3A_26 = arith.constant 2 : i32
    "tpu.region"() ({
      %run_scoped3A_62 = tpu.sem_alloc : memref<!tpu.dma_semaphore, #tpu.memory_space<semaphore_mem>>
      %dma_start3A = arith.constant 0 : i32
      %dma_start3A_63 = tpu.memref_slice %arg7[%run_scoped3A_26, %dma_start3A] : memref<10x128xi32, #tpu.memory_space<vmem>> -> memref<1x128xi32, #tpu.memory_space<vmem>>
      %dma_start3A_64 = tpu.memref_squeeze %dma_start3A_63 : memref<1x128xi32, #tpu.memory_space<vmem>> -> memref<128xi32, #tpu.memory_space<vmem>>
      %dma_start3A_65 = arith.constant 0 : i32
      %dma_start3A_66 = arith.constant 0 : i32
      %dma_start3A_67 = tpu.memref_slice %arg5[%dma_start3A_65, %dma_start3A_66] : memref<890624x128xf32, #tpu.memory_space<hbm>> -> memref<890624x128xf32, #tpu.memory_space<hbm>>
      tpu.enqueue_indirect_dma source(%arg6 : memref<128x128xf32, #tpu.memory_space<vmem>>) target(%dma_start3A_67 : memref<890624x128xf32, #tpu.memory_space<hbm>>) offsets(%dma_start3A_64 : memref<128xi32, #tpu.memory_space<vmem>>) semaphore(%run_scoped3A_62 : memref<!tpu.dma_semaphore, #tpu.memory_space<semaphore_mem>>)
      %dma_wait3A = arith.constant 0 : i32
      %dma_wait3A_68 = tpu.memref_slice %arg7[%run_scoped3A_26, %dma_wait3A] : memref<10x128xi32, #tpu.memory_space<vmem>> -> memref<1x128xi32, #tpu.memory_space<vmem>>
      %dma_wait3A_69 = tpu.memref_squeeze %dma_wait3A_68 : memref<1x128xi32, #tpu.memory_space<vmem>> -> memref<128xi32, #tpu.memory_space<vmem>>
      %dma_wait3A_70 = arith.constant 0 : i32
      %dma_wait3A_71 = arith.constant 0 : i32
      %dma_wait3A_72 = tpu.memref_slice %arg5[%dma_wait3A_70, %dma_wait3A_71] : memref<890624x128xf32, #tpu.memory_space<hbm>> -> memref<890624x128xf32, #tpu.memory_space<hbm>>
      tpu.wait_indirect_dma semaphore(%run_scoped3A_62 : memref<!tpu.dma_semaphore, #tpu.memory_space<semaphore_mem>>) src(%arg6 : memref<128x128xf32, #tpu.memory_space<vmem>>) dst(%dma_wait3A_72 : memref<890624x128xf32, #tpu.memory_space<hbm>>)
      tpu.yield
    }) : () -> ()
    %mul3A_27 = arith.constant 1280 : i32
    %mul3A_28 = arith.muli %add3A, %mul3A_27 : i32
    %add3A_29 = arith.constant 384 : i32
    %add3A_30 = arith.addi %mul3A_28, %add3A_29 : i32
    "tpu.region"() ({
      %run_scoped3A_62 = tpu.sem_alloc : memref<!tpu.dma_semaphore, #tpu.memory_space<semaphore_mem>>
      %dma_start3A = arith.constant 0 : i32
      %dma_start3A_63 = tpu.memref_slice %arg2[%add3A_30, %dma_start3A] : memref<40960x128xf32, #tpu.memory_space<hbm>> -> memref<128x128xf32, #tpu.memory_space<hbm>>
      %dma_start3A_64 = arith.constant 0 : i32
      %dma_start3A_65 = tpu.memref_slice %arg2[%add3A_30, %dma_start3A_64] : memref<40960x128xf32, #tpu.memory_space<hbm>> -> memref<128x128xf32, #tpu.memory_space<hbm>>
      tpu.enqueue_dma source(%dma_start3A_65 : memref<128x128xf32, #tpu.memory_space<hbm>>) target(%arg6 : memref<128x128xf32, #tpu.memory_space<vmem>>) target_semaphore(%run_scoped3A_62 : memref<!tpu.dma_semaphore, #tpu.memory_space<semaphore_mem>>)
      %dma_wait3A = arith.constant 0 : i32
      %dma_wait3A_66 = tpu.memref_slice %arg2[%add3A_30, %dma_wait3A] : memref<40960x128xf32, #tpu.memory_space<hbm>> -> memref<128x128xf32, #tpu.memory_space<hbm>>
      %dma_wait3A_67 = arith.constant 0 : i32
      %dma_wait3A_68 = tpu.memref_slice %arg2[%add3A_30, %dma_wait3A_67] : memref<40960x128xf32, #tpu.memory_space<hbm>> -> memref<128x128xf32, #tpu.memory_space<hbm>>
      tpu.wait_dma2 semaphore(%run_scoped3A_62 : memref<!tpu.dma_semaphore, #tpu.memory_space<semaphore_mem>>) src(%dma_wait3A_68 : memref<128x128xf32, #tpu.memory_space<hbm>>) dst(%arg6 : memref<128x128xf32, #tpu.memory_space<vmem>>)
      tpu.yield
    }) : () -> ()
    %run_scoped3A_31 = arith.constant 3 : i32
    "tpu.region"() ({
      %run_scoped3A_62 = tpu.sem_alloc : memref<!tpu.dma_semaphore, #tpu.memory_space<semaphore_mem>>
      %dma_start3A = arith.constant 0 : i32
      %dma_start3A_63 = tpu.memref_slice %arg7[%run_scoped3A_31, %dma_start3A] : memref<10x128xi32, #tpu.memory_space<vmem>> -> memref<1x128xi32, #tpu.memory_space<vmem>>
      %dma_start3A_64 = tpu.memref_squeeze %dma_start3A_63 : memref<1x128xi32, #tpu.memory_space<vmem>> -> memref<128xi32, #tpu.memory_space<vmem>>
      %dma_start3A_65 = arith.constant 0 : i32
      %dma_start3A_66 = arith.constant 0 : i32
      %dma_start3A_67 = tpu.memref_slice %arg5[%dma_start3A_65, %dma_start3A_66] : memref<890624x128xf32, #tpu.memory_space<hbm>> -> memref<890624x128xf32, #tpu.memory_space<hbm>>
      tpu.enqueue_indirect_dma source(%arg6 : memref<128x128xf32, #tpu.memory_space<vmem>>) target(%dma_start3A_67 : memref<890624x128xf32, #tpu.memory_space<hbm>>) offsets(%dma_start3A_64 : memref<128xi32, #tpu.memory_space<vmem>>) semaphore(%run_scoped3A_62 : memref<!tpu.dma_semaphore, #tpu.memory_space<semaphore_mem>>)
      %dma_wait3A = arith.constant 0 : i32
      %dma_wait3A_68 = tpu.memref_slice %arg7[%run_scoped3A_31, %dma_wait3A] : memref<10x128xi32, #tpu.memory_space<vmem>> -> memref<1x128xi32, #tpu.memory_space<vmem>>
      %dma_wait3A_69 = tpu.memref_squeeze %dma_wait3A_68 : memref<1x128xi32, #tpu.memory_space<vmem>> -> memref<128xi32, #tpu.memory_space<vmem>>
      %dma_wait3A_70 = arith.constant 0 : i32
      %dma_wait3A_71 = arith.constant 0 : i32
      %dma_wait3A_72 = tpu.memref_slice %arg5[%dma_wait3A_70, %dma_wait3A_71] : memref<890624x128xf32, #tpu.memory_space<hbm>> -> memref<890624x128xf32, #tpu.memory_space<hbm>>
      tpu.wait_indirect_dma semaphore(%run_scoped3A_62 : memref<!tpu.dma_semaphore, #tpu.memory_space<semaphore_mem>>) src(%arg6 : memref<128x128xf32, #tpu.memory_space<vmem>>) dst(%dma_wait3A_72 : memref<890624x128xf32, #tpu.memory_space<hbm>>)
      tpu.yield
    }) : () -> ()
    %mul3A_32 = arith.constant 1280 : i32
    %mul3A_33 = arith.muli %add3A, %mul3A_32 : i32
    %add3A_34 = arith.constant 512 : i32
    %add3A_35 = arith.addi %mul3A_33, %add3A_34 : i32
    "tpu.region"() ({
      %run_scoped3A_62 = tpu.sem_alloc : memref<!tpu.dma_semaphore, #tpu.memory_space<semaphore_mem>>
      %dma_start3A = arith.constant 0 : i32
      %dma_start3A_63 = tpu.memref_slice %arg2[%add3A_35, %dma_start3A] : memref<40960x128xf32, #tpu.memory_space<hbm>> -> memref<128x128xf32, #tpu.memory_space<hbm>>
      %dma_start3A_64 = arith.constant 0 : i32
      %dma_start3A_65 = tpu.memref_slice %arg2[%add3A_35, %dma_start3A_64] : memref<40960x128xf32, #tpu.memory_space<hbm>> -> memref<128x128xf32, #tpu.memory_space<hbm>>
      tpu.enqueue_dma source(%dma_start3A_65 : memref<128x128xf32, #tpu.memory_space<hbm>>) target(%arg6 : memref<128x128xf32, #tpu.memory_space<vmem>>) target_semaphore(%run_scoped3A_62 : memref<!tpu.dma_semaphore, #tpu.memory_space<semaphore_mem>>)
      %dma_wait3A = arith.constant 0 : i32
      %dma_wait3A_66 = tpu.memref_slice %arg2[%add3A_35, %dma_wait3A] : memref<40960x128xf32, #tpu.memory_space<hbm>> -> memref<128x128xf32, #tpu.memory_space<hbm>>
      %dma_wait3A_67 = arith.constant 0 : i32
      %dma_wait3A_68 = tpu.memref_slice %arg2[%add3A_35, %dma_wait3A_67] : memref<40960x128xf32, #tpu.memory_space<hbm>> -> memref<128x128xf32, #tpu.memory_space<hbm>>
      tpu.wait_dma2 semaphore(%run_scoped3A_62 : memref<!tpu.dma_semaphore, #tpu.memory_space<semaphore_mem>>) src(%dma_wait3A_68 : memref<128x128xf32, #tpu.memory_space<hbm>>) dst(%arg6 : memref<128x128xf32, #tpu.memory_space<vmem>>)
      tpu.yield
    }) : () -> ()
    %run_scoped3A_36 = arith.constant 4 : i32
    "tpu.region"() ({
      %run_scoped3A_62 = tpu.sem_alloc : memref<!tpu.dma_semaphore, #tpu.memory_space<semaphore_mem>>
      %dma_start3A = arith.constant 0 : i32
      %dma_start3A_63 = tpu.memref_slice %arg7[%run_scoped3A_36, %dma_start3A] : memref<10x128xi32, #tpu.memory_space<vmem>> -> memref<1x128xi32, #tpu.memory_space<vmem>>
      %dma_start3A_64 = tpu.memref_squeeze %dma_start3A_63 : memref<1x128xi32, #tpu.memory_space<vmem>> -> memref<128xi32, #tpu.memory_space<vmem>>
      %dma_start3A_65 = arith.constant 0 : i32
      %dma_start3A_66 = arith.constant 0 : i32
      %dma_start3A_67 = tpu.memref_slice %arg5[%dma_start3A_65, %dma_start3A_66] : memref<890624x128xf32, #tpu.memory_space<hbm>> -> memref<890624x128xf32, #tpu.memory_space<hbm>>
      tpu.enqueue_indirect_dma source(%arg6 : memref<128x128xf32, #tpu.memory_space<vmem>>) target(%dma_start3A_67 : memref<890624x128xf32, #tpu.memory_space<hbm>>) offsets(%dma_start3A_64 : memref<128xi32, #tpu.memory_space<vmem>>) semaphore(%run_scoped3A_62 : memref<!tpu.dma_semaphore, #tpu.memory_space<semaphore_mem>>)
      %dma_wait3A = arith.constant 0 : i32
      %dma_wait3A_68 = tpu.memref_slice %arg7[%run_scoped3A_36, %dma_wait3A] : memref<10x128xi32, #tpu.memory_space<vmem>> -> memref<1x128xi32, #tpu.memory_space<vmem>>
      %dma_wait3A_69 = tpu.memref_squeeze %dma_wait3A_68 : memref<1x128xi32, #tpu.memory_space<vmem>> -> memref<128xi32, #tpu.memory_space<vmem>>
      %dma_wait3A_70 = arith.constant 0 : i32
      %dma_wait3A_71 = arith.constant 0 : i32
      %dma_wait3A_72 = tpu.memref_slice %arg5[%dma_wait3A_70, %dma_wait3A_71] : memref<890624x128xf32, #tpu.memory_space<hbm>> -> memref<890624x128xf32, #tpu.memory_space<hbm>>
      tpu.wait_indirect_dma semaphore(%run_scoped3A_62 : memref<!tpu.dma_semaphore, #tpu.memory_space<semaphore_mem>>) src(%arg6 : memref<128x128xf32, #tpu.memory_space<vmem>>) dst(%dma_wait3A_72 : memref<890624x128xf32, #tpu.memory_space<hbm>>)
      tpu.yield
    }) : () -> ()
    %mul3A_37 = arith.constant 1280 : i32
    %mul3A_38 = arith.muli %add3A, %mul3A_37 : i32
    %add3A_39 = arith.constant 640 : i32
    %add3A_40 = arith.addi %mul3A_38, %add3A_39 : i32
    "tpu.region"() ({
      %run_scoped3A_62 = tpu.sem_alloc : memref<!tpu.dma_semaphore, #tpu.memory_space<semaphore_mem>>
      %dma_start3A = arith.constant 0 : i32
      %dma_start3A_63 = tpu.memref_slice %arg2[%add3A_40, %dma_start3A] : memref<40960x128xf32, #tpu.memory_space<hbm>> -> memref<128x128xf32, #tpu.memory_space<hbm>>
      %dma_start3A_64 = arith.constant 0 : i32
      %dma_start3A_65 = tpu.memref_slice %arg2[%add3A_40, %dma_start3A_64] : memref<40960x128xf32, #tpu.memory_space<hbm>> -> memref<128x128xf32, #tpu.memory_space<hbm>>
      tpu.enqueue_dma source(%dma_start3A_65 : memref<128x128xf32, #tpu.memory_space<hbm>>) target(%arg6 : memref<128x128xf32, #tpu.memory_space<vmem>>) target_semaphore(%run_scoped3A_62 : memref<!tpu.dma_semaphore, #tpu.memory_space<semaphore_mem>>)
      %dma_wait3A = arith.constant 0 : i32
      %dma_wait3A_66 = tpu.memref_slice %arg2[%add3A_40, %dma_wait3A] : memref<40960x128xf32, #tpu.memory_space<hbm>> -> memref<128x128xf32, #tpu.memory_space<hbm>>
      %dma_wait3A_67 = arith.constant 0 : i32
      %dma_wait3A_68 = tpu.memref_slice %arg2[%add3A_40, %dma_wait3A_67] : memref<40960x128xf32, #tpu.memory_space<hbm>> -> memref<128x128xf32, #tpu.memory_space<hbm>>
      tpu.wait_dma2 semaphore(%run_scoped3A_62 : memref<!tpu.dma_semaphore, #tpu.memory_space<semaphore_mem>>) src(%dma_wait3A_68 : memref<128x128xf32, #tpu.memory_space<hbm>>) dst(%arg6 : memref<128x128xf32, #tpu.memory_space<vmem>>)
      tpu.yield
    }) : () -> ()
    %run_scoped3A_41 = arith.constant 5 : i32
    "tpu.region"() ({
      %run_scoped3A_62 = tpu.sem_alloc : memref<!tpu.dma_semaphore, #tpu.memory_space<semaphore_mem>>
      %dma_start3A = arith.constant 0 : i32
      %dma_start3A_63 = tpu.memref_slice %arg7[%run_scoped3A_41, %dma_start3A] : memref<10x128xi32, #tpu.memory_space<vmem>> -> memref<1x128xi32, #tpu.memory_space<vmem>>
      %dma_start3A_64 = tpu.memref_squeeze %dma_start3A_63 : memref<1x128xi32, #tpu.memory_space<vmem>> -> memref<128xi32, #tpu.memory_space<vmem>>
      %dma_start3A_65 = arith.constant 0 : i32
      %dma_start3A_66 = arith.constant 0 : i32
      %dma_start3A_67 = tpu.memref_slice %arg5[%dma_start3A_65, %dma_start3A_66] : memref<890624x128xf32, #tpu.memory_space<hbm>> -> memref<890624x128xf32, #tpu.memory_space<hbm>>
      tpu.enqueue_indirect_dma source(%arg6 : memref<128x128xf32, #tpu.memory_space<vmem>>) target(%dma_start3A_67 : memref<890624x128xf32, #tpu.memory_space<hbm>>) offsets(%dma_start3A_64 : memref<128xi32, #tpu.memory_space<vmem>>) semaphore(%run_scoped3A_62 : memref<!tpu.dma_semaphore, #tpu.memory_space<semaphore_mem>>)
      %dma_wait3A = arith.constant 0 : i32
      %dma_wait3A_68 = tpu.memref_slice %arg7[%run_scoped3A_41, %dma_wait3A] : memref<10x128xi32, #tpu.memory_space<vmem>> -> memref<1x128xi32, #tpu.memory_space<vmem>>
      %dma_wait3A_69 = tpu.memref_squeeze %dma_wait3A_68 : memref<1x128xi32, #tpu.memory_space<vmem>> -> memref<128xi32, #tpu.memory_space<vmem>>
      %dma_wait3A_70 = arith.constant 0 : i32
      %dma_wait3A_71 = arith.constant 0 : i32
      %dma_wait3A_72 = tpu.memref_slice %arg5[%dma_wait3A_70, %dma_wait3A_71] : memref<890624x128xf32, #tpu.memory_space<hbm>> -> memref<890624x128xf32, #tpu.memory_space<hbm>>
      tpu.wait_indirect_dma semaphore(%run_scoped3A_62 : memref<!tpu.dma_semaphore, #tpu.memory_space<semaphore_mem>>) src(%arg6 : memref<128x128xf32, #tpu.memory_space<vmem>>) dst(%dma_wait3A_72 : memref<890624x128xf32, #tpu.memory_space<hbm>>)
      tpu.yield
    }) : () -> ()
    %mul3A_42 = arith.constant 1280 : i32
    %mul3A_43 = arith.muli %add3A, %mul3A_42 : i32
    %add3A_44 = arith.constant 768 : i32
    %add3A_45 = arith.addi %mul3A_43, %add3A_44 : i32
    "tpu.region"() ({
      %run_scoped3A_62 = tpu.sem_alloc : memref<!tpu.dma_semaphore, #tpu.memory_space<semaphore_mem>>
      %dma_start3A = arith.constant 0 : i32
      %dma_start3A_63 = tpu.memref_slice %arg2[%add3A_45, %dma_start3A] : memref<40960x128xf32, #tpu.memory_space<hbm>> -> memref<128x128xf32, #tpu.memory_space<hbm>>
      %dma_start3A_64 = arith.constant 0 : i32
      %dma_start3A_65 = tpu.memref_slice %arg2[%add3A_45, %dma_start3A_64] : memref<40960x128xf32, #tpu.memory_space<hbm>> -> memref<128x128xf32, #tpu.memory_space<hbm>>
      tpu.enqueue_dma source(%dma_start3A_65 : memref<128x128xf32, #tpu.memory_space<hbm>>) target(%arg6 : memref<128x128xf32, #tpu.memory_space<vmem>>) target_semaphore(%run_scoped3A_62 : memref<!tpu.dma_semaphore, #tpu.memory_space<semaphore_mem>>)
      %dma_wait3A = arith.constant 0 : i32
      %dma_wait3A_66 = tpu.memref_slice %arg2[%add3A_45, %dma_wait3A] : memref<40960x128xf32, #tpu.memory_space<hbm>> -> memref<128x128xf32, #tpu.memory_space<hbm>>
      %dma_wait3A_67 = arith.constant 0 : i32
      %dma_wait3A_68 = tpu.memref_slice %arg2[%add3A_45, %dma_wait3A_67] : memref<40960x128xf32, #tpu.memory_space<hbm>> -> memref<128x128xf32, #tpu.memory_space<hbm>>
      tpu.wait_dma2 semaphore(%run_scoped3A_62 : memref<!tpu.dma_semaphore, #tpu.memory_space<semaphore_mem>>) src(%dma_wait3A_68 : memref<128x128xf32, #tpu.memory_space<hbm>>) dst(%arg6 : memref<128x128xf32, #tpu.memory_space<vmem>>)
      tpu.yield
    }) : () -> ()
    %run_scoped3A_46 = arith.constant 6 : i32
    "tpu.region"() ({
      %run_scoped3A_62 = tpu.sem_alloc : memref<!tpu.dma_semaphore, #tpu.memory_space<semaphore_mem>>
      %dma_start3A = arith.constant 0 : i32
      %dma_start3A_63 = tpu.memref_slice %arg7[%run_scoped3A_46, %dma_start3A] : memref<10x128xi32, #tpu.memory_space<vmem>> -> memref<1x128xi32, #tpu.memory_space<vmem>>
      %dma_start3A_64 = tpu.memref_squeeze %dma_start3A_63 : memref<1x128xi32, #tpu.memory_space<vmem>> -> memref<128xi32, #tpu.memory_space<vmem>>
      %dma_start3A_65 = arith.constant 0 : i32
      %dma_start3A_66 = arith.constant 0 : i32
      %dma_start3A_67 = tpu.memref_slice %arg5[%dma_start3A_65, %dma_start3A_66] : memref<890624x128xf32, #tpu.memory_space<hbm>> -> memref<890624x128xf32, #tpu.memory_space<hbm>>
      tpu.enqueue_indirect_dma source(%arg6 : memref<128x128xf32, #tpu.memory_space<vmem>>) target(%dma_start3A_67 : memref<890624x128xf32, #tpu.memory_space<hbm>>) offsets(%dma_start3A_64 : memref<128xi32, #tpu.memory_space<vmem>>) semaphore(%run_scoped3A_62 : memref<!tpu.dma_semaphore, #tpu.memory_space<semaphore_mem>>)
      %dma_wait3A = arith.constant 0 : i32
      %dma_wait3A_68 = tpu.memref_slice %arg7[%run_scoped3A_46, %dma_wait3A] : memref<10x128xi32, #tpu.memory_space<vmem>> -> memref<1x128xi32, #tpu.memory_space<vmem>>
      %dma_wait3A_69 = tpu.memref_squeeze %dma_wait3A_68 : memref<1x128xi32, #tpu.memory_space<vmem>> -> memref<128xi32, #tpu.memory_space<vmem>>
      %dma_wait3A_70 = arith.constant 0 : i32
      %dma_wait3A_71 = arith.constant 0 : i32
      %dma_wait3A_72 = tpu.memref_slice %arg5[%dma_wait3A_70, %dma_wait3A_71] : memref<890624x128xf32, #tpu.memory_space<hbm>> -> memref<890624x128xf32, #tpu.memory_space<hbm>>
      tpu.wait_indirect_dma semaphore(%run_scoped3A_62 : memref<!tpu.dma_semaphore, #tpu.memory_space<semaphore_mem>>) src(%arg6 : memref<128x128xf32, #tpu.memory_space<vmem>>) dst(%dma_wait3A_72 : memref<890624x128xf32, #tpu.memory_space<hbm>>)
      tpu.yield
    }) : () -> ()
    %mul3A_47 = arith.constant 1280 : i32
    %mul3A_48 = arith.muli %add3A, %mul3A_47 : i32
    %add3A_49 = arith.constant 896 : i32
    %add3A_50 = arith.addi %mul3A_48, %add3A_49 : i32
    "tpu.region"() ({
      %run_scoped3A_62 = tpu.sem_alloc : memref<!tpu.dma_semaphore, #tpu.memory_space<semaphore_mem>>
      %dma_start3A = arith.constant 0 : i32
      %dma_start3A_63 = tpu.memref_slice %arg2[%add3A_50, %dma_start3A] : memref<40960x128xf32, #tpu.memory_space<hbm>> -> memref<128x128xf32, #tpu.memory_space<hbm>>
      %dma_start3A_64 = arith.constant 0 : i32
      %dma_start3A_65 = tpu.memref_slice %arg2[%add3A_50, %dma_start3A_64] : memref<40960x128xf32, #tpu.memory_space<hbm>> -> memref<128x128xf32, #tpu.memory_space<hbm>>
      tpu.enqueue_dma source(%dma_start3A_65 : memref<128x128xf32, #tpu.memory_space<hbm>>) target(%arg6 : memref<128x128xf32, #tpu.memory_space<vmem>>) target_semaphore(%run_scoped3A_62 : memref<!tpu.dma_semaphore, #tpu.memory_space<semaphore_mem>>)
      %dma_wait3A = arith.constant 0 : i32
      %dma_wait3A_66 = tpu.memref_slice %arg2[%add3A_50, %dma_wait3A] : memref<40960x128xf32, #tpu.memory_space<hbm>> -> memref<128x128xf32, #tpu.memory_space<hbm>>
      %dma_wait3A_67 = arith.constant 0 : i32
      %dma_wait3A_68 = tpu.memref_slice %arg2[%add3A_50, %dma_wait3A_67] : memref<40960x128xf32, #tpu.memory_space<hbm>> -> memref<128x128xf32, #tpu.memory_space<hbm>>
      tpu.wait_dma2 semaphore(%run_scoped3A_62 : memref<!tpu.dma_semaphore, #tpu.memory_space<semaphore_mem>>) src(%dma_wait3A_68 : memref<128x128xf32, #tpu.memory_space<hbm>>) dst(%arg6 : memref<128x128xf32, #tpu.memory_space<vmem>>)
      tpu.yield
    }) : () -> ()
    %run_scoped3A_51 = arith.constant 7 : i32
    "tpu.region"() ({
      %run_scoped3A_62 = tpu.sem_alloc : memref<!tpu.dma_semaphore, #tpu.memory_space<semaphore_mem>>
      %dma_start3A = arith.constant 0 : i32
      %dma_start3A_63 = tpu.memref_slice %arg7[%run_scoped3A_51, %dma_start3A] : memref<10x128xi32, #tpu.memory_space<vmem>> -> memref<1x128xi32, #tpu.memory_space<vmem>>
      %dma_start3A_64 = tpu.memref_squeeze %dma_start3A_63 : memref<1x128xi32, #tpu.memory_space<vmem>> -> memref<128xi32, #tpu.memory_space<vmem>>
      %dma_start3A_65 = arith.constant 0 : i32
      %dma_start3A_66 = arith.constant 0 : i32
      %dma_start3A_67 = tpu.memref_slice %arg5[%dma_start3A_65, %dma_start3A_66] : memref<890624x128xf32, #tpu.memory_space<hbm>> -> memref<890624x128xf32, #tpu.memory_space<hbm>>
      tpu.enqueue_indirect_dma source(%arg6 : memref<128x128xf32, #tpu.memory_space<vmem>>) target(%dma_start3A_67 : memref<890624x128xf32, #tpu.memory_space<hbm>>) offsets(%dma_start3A_64 : memref<128xi32, #tpu.memory_space<vmem>>) semaphore(%run_scoped3A_62 : memref<!tpu.dma_semaphore, #tpu.memory_space<semaphore_mem>>)
      %dma_wait3A = arith.constant 0 : i32
      %dma_wait3A_68 = tpu.memref_slice %arg7[%run_scoped3A_51, %dma_wait3A] : memref<10x128xi32, #tpu.memory_space<vmem>> -> memref<1x128xi32, #tpu.memory_space<vmem>>
      %dma_wait3A_69 = tpu.memref_squeeze %dma_wait3A_68 : memref<1x128xi32, #tpu.memory_space<vmem>> -> memref<128xi32, #tpu.memory_space<vmem>>
      %dma_wait3A_70 = arith.constant 0 : i32
      %dma_wait3A_71 = arith.constant 0 : i32
      %dma_wait3A_72 = tpu.memref_slice %arg5[%dma_wait3A_70, %dma_wait3A_71] : memref<890624x128xf32, #tpu.memory_space<hbm>> -> memref<890624x128xf32, #tpu.memory_space<hbm>>
      tpu.wait_indirect_dma semaphore(%run_scoped3A_62 : memref<!tpu.dma_semaphore, #tpu.memory_space<semaphore_mem>>) src(%arg6 : memref<128x128xf32, #tpu.memory_space<vmem>>) dst(%dma_wait3A_72 : memref<890624x128xf32, #tpu.memory_space<hbm>>)
      tpu.yield
    }) : () -> ()
    %mul3A_52 = arith.constant 1280 : i32
    %mul3A_53 = arith.muli %add3A, %mul3A_52 : i32
    %add3A_54 = arith.constant 1024 : i32
    %add3A_55 = arith.addi %mul3A_53, %add3A_54 : i32
    "tpu.region"() ({
      %run_scoped3A_62 = tpu.sem_alloc : memref<!tpu.dma_semaphore, #tpu.memory_space<semaphore_mem>>
      %dma_start3A = arith.constant 0 : i32
      %dma_start3A_63 = tpu.memref_slice %arg2[%add3A_55, %dma_start3A] : memref<40960x128xf32, #tpu.memory_space<hbm>> -> memref<128x128xf32, #tpu.memory_space<hbm>>
      %dma_start3A_64 = arith.constant 0 : i32
      %dma_start3A_65 = tpu.memref_slice %arg2[%add3A_55, %dma_start3A_64] : memref<40960x128xf32, #tpu.memory_space<hbm>> -> memref<128x128xf32, #tpu.memory_space<hbm>>
      tpu.enqueue_dma source(%dma_start3A_65 : memref<128x128xf32, #tpu.memory_space<hbm>>) target(%arg6 : memref<128x128xf32, #tpu.memory_space<vmem>>) target_semaphore(%run_scoped3A_62 : memref<!tpu.dma_semaphore, #tpu.memory_space<semaphore_mem>>)
      %dma_wait3A = arith.constant 0 : i32
      %dma_wait3A_66 = tpu.memref_slice %arg2[%add3A_55, %dma_wait3A] : memref<40960x128xf32, #tpu.memory_space<hbm>> -> memref<128x128xf32, #tpu.memory_space<hbm>>
      %dma_wait3A_67 = arith.constant 0 : i32
      %dma_wait3A_68 = tpu.memref_slice %arg2[%add3A_55, %dma_wait3A_67] : memref<40960x128xf32, #tpu.memory_space<hbm>> -> memref<128x128xf32, #tpu.memory_space<hbm>>
      tpu.wait_dma2 semaphore(%run_scoped3A_62 : memref<!tpu.dma_semaphore, #tpu.memory_space<semaphore_mem>>) src(%dma_wait3A_68 : memref<128x128xf32, #tpu.memory_space<hbm>>) dst(%arg6 : memref<128x128xf32, #tpu.memory_space<vmem>>)
      tpu.yield
    }) : () -> ()
    %run_scoped3A_56 = arith.constant 8 : i32
    "tpu.region"() ({
      %run_scoped3A_62 = tpu.sem_alloc : memref<!tpu.dma_semaphore, #tpu.memory_space<semaphore_mem>>
      %dma_start3A = arith.constant 0 : i32
      %dma_start3A_63 = tpu.memref_slice %arg7[%run_scoped3A_56, %dma_start3A] : memref<10x128xi32, #tpu.memory_space<vmem>> -> memref<1x128xi32, #tpu.memory_space<vmem>>
      %dma_start3A_64 = tpu.memref_squeeze %dma_start3A_63 : memref<1x128xi32, #tpu.memory_space<vmem>> -> memref<128xi32, #tpu.memory_space<vmem>>
      %dma_start3A_65 = arith.constant 0 : i32
      %dma_start3A_66 = arith.constant 0 : i32
      %dma_start3A_67 = tpu.memref_slice %arg5[%dma_start3A_65, %dma_start3A_66] : memref<890624x128xf32, #tpu.memory_space<hbm>> -> memref<890624x128xf32, #tpu.memory_space<hbm>>
      tpu.enqueue_indirect_dma source(%arg6 : memref<128x128xf32, #tpu.memory_space<vmem>>) target(%dma_start3A_67 : memref<890624x128xf32, #tpu.memory_space<hbm>>) offsets(%dma_start3A_64 : memref<128xi32, #tpu.memory_space<vmem>>) semaphore(%run_scoped3A_62 : memref<!tpu.dma_semaphore, #tpu.memory_space<semaphore_mem>>)
      %dma_wait3A = arith.constant 0 : i32
      %dma_wait3A_68 = tpu.memref_slice %arg7[%run_scoped3A_56, %dma_wait3A] : memref<10x128xi32, #tpu.memory_space<vmem>> -> memref<1x128xi32, #tpu.memory_space<vmem>>
      %dma_wait3A_69 = tpu.memref_squeeze %dma_wait3A_68 : memref<1x128xi32, #tpu.memory_space<vmem>> -> memref<128xi32, #tpu.memory_space<vmem>>
      %dma_wait3A_70 = arith.constant 0 : i32
      %dma_wait3A_71 = arith.constant 0 : i32
      %dma_wait3A_72 = tpu.memref_slice %arg5[%dma_wait3A_70, %dma_wait3A_71] : memref<890624x128xf32, #tpu.memory_space<hbm>> -> memref<890624x128xf32, #tpu.memory_space<hbm>>
      tpu.wait_indirect_dma semaphore(%run_scoped3A_62 : memref<!tpu.dma_semaphore, #tpu.memory_space<semaphore_mem>>) src(%arg6 : memref<128x128xf32, #tpu.memory_space<vmem>>) dst(%dma_wait3A_72 : memref<890624x128xf32, #tpu.memory_space<hbm>>)
      tpu.yield
    }) : () -> ()
    %mul3A_57 = arith.constant 1280 : i32
    %mul3A_58 = arith.muli %add3A, %mul3A_57 : i32
    %add3A_59 = arith.constant 1152 : i32
    %add3A_60 = arith.addi %mul3A_58, %add3A_59 : i32
    "tpu.region"() ({
      %run_scoped3A_62 = tpu.sem_alloc : memref<!tpu.dma_semaphore, #tpu.memory_space<semaphore_mem>>
      %dma_start3A = arith.constant 0 : i32
      %dma_start3A_63 = tpu.memref_slice %arg2[%add3A_60, %dma_start3A] : memref<40960x128xf32, #tpu.memory_space<hbm>> -> memref<128x128xf32, #tpu.memory_space<hbm>>
      %dma_start3A_64 = arith.constant 0 : i32
      %dma_start3A_65 = tpu.memref_slice %arg2[%add3A_60, %dma_start3A_64] : memref<40960x128xf32, #tpu.memory_space<hbm>> -> memref<128x128xf32, #tpu.memory_space<hbm>>
      tpu.enqueue_dma source(%dma_start3A_65 : memref<128x128xf32, #tpu.memory_space<hbm>>) target(%arg6 : memref<128x128xf32, #tpu.memory_space<vmem>>) target_semaphore(%run_scoped3A_62 : memref<!tpu.dma_semaphore, #tpu.memory_space<semaphore_mem>>)
      %dma_wait3A = arith.constant 0 : i32
      %dma_wait3A_66 = tpu.memref_slice %arg2[%add3A_60, %dma_wait3A] : memref<40960x128xf32, #tpu.memory_space<hbm>> -> memref<128x128xf32, #tpu.memory_space<hbm>>
      %dma_wait3A_67 = arith.constant 0 : i32
      %dma_wait3A_68 = tpu.memref_slice %arg2[%add3A_60, %dma_wait3A_67] : memref<40960x128xf32, #tpu.memory_space<hbm>> -> memref<128x128xf32, #tpu.memory_space<hbm>>
      tpu.wait_dma2 semaphore(%run_scoped3A_62 : memref<!tpu.dma_semaphore, #tpu.memory_space<semaphore_mem>>) src(%dma_wait3A_68 : memref<128x128xf32, #tpu.memory_space<hbm>>) dst(%arg6 : memref<128x128xf32, #tpu.memory_space<vmem>>)
      tpu.yield
    }) : () -> ()
    %run_scoped3A_61 = arith.constant 9 : i32
    "tpu.region"() ({
      %run_scoped3A_62 = tpu.sem_alloc : memref<!tpu.dma_semaphore, #tpu.memory_space<semaphore_mem>>
      %dma_start3A = arith.constant 0 : i32
      %dma_start3A_63 = tpu.memref_slice %arg7[%run_scoped3A_61, %dma_start3A] : memref<10x128xi32, #tpu.memory_space<vmem>> -> memref<1x128xi32, #tpu.memory_space<vmem>>
      %dma_start3A_64 = tpu.memref_squeeze %dma_start3A_63 : memref<1x128xi32, #tpu.memory_space<vmem>> -> memref<128xi32, #tpu.memory_space<vmem>>
      %dma_start3A_65 = arith.constant 0 : i32
      %dma_start3A_66 = arith.constant 0 : i32
      %dma_start3A_67 = tpu.memref_slice %arg5[%dma_start3A_65, %dma_start3A_66] : memref<890624x128xf32, #tpu.memory_space<hbm>> -> memref<890624x128xf32, #tpu.memory_space<hbm>>
      tpu.enqueue_indirect_dma source(%arg6 : memref<128x128xf32, #tpu.memory_space<vmem>>) target(%dma_start3A_67 : memref<890624x128xf32, #tpu.memory_space<hbm>>) offsets(%dma_start3A_64 : memref<128xi32, #tpu.memory_space<vmem>>) semaphore(%run_scoped3A_62 : memref<!tpu.dma_semaphore, #tpu.memory_space<semaphore_mem>>)
      %dma_wait3A = arith.constant 0 : i32
      %dma_wait3A_68 = tpu.memref_slice %arg7[%run_scoped3A_61, %dma_wait3A] : memref<10x128xi32, #tpu.memory_space<vmem>> -> memref<1x128xi32, #tpu.memory_space<vmem>>
      %dma_wait3A_69 = tpu.memref_squeeze %dma_wait3A_68 : memref<1x128xi32, #tpu.memory_space<vmem>> -> memref<128xi32, #tpu.memory_space<vmem>>
      %dma_wait3A_70 = arith.constant 0 : i32
      %dma_wait3A_71 = arith.constant 0 : i32
      %dma_wait3A_72 = tpu.memref_slice %arg5[%dma_wait3A_70, %dma_wait3A_71] : memref<890624x128xf32, #tpu.memory_space<hbm>> -> memref<890624x128xf32, #tpu.memory_space<hbm>>
      tpu.wait_indirect_dma semaphore(%run_scoped3A_62 : memref<!tpu.dma_semaphore, #tpu.memory_space<semaphore_mem>>) src(%arg6 : memref<128x128xf32, #tpu.memory_space<vmem>>) dst(%dma_wait3A_72 : memref<890624x128xf32, #tpu.memory_space<hbm>>)
      tpu.yield
    }) : () -> ()
    return
  }
}

module attributes {stable_mosaic.version = 14 : i64} {
  func.func @_encode_body(%arg0: i32, %arg1: memref<32x2048xf32, #tpu.memory_space<vmem>>, %arg2: memref<32x2048xf32, #tpu.memory_space<vmem>>, %arg3: memref<32x2048xf32, #tpu.memory_space<vmem>>, %arg4: memref<32x2048xf32, #tpu.memory_space<vmem>>, %arg5: memref<4x2048xf32, #tpu.memory_space<vmem>>, %arg6: memref<64x4xf32, #tpu.memory_space<vmem>>, %arg7: memref<64x5xf32, #tpu.memory_space<vmem>>, %arg8: memref<64x2xf32, #tpu.memory_space<vmem>>, %arg9: memref<2048x128xf32, #tpu.memory_space<vmem>>) attributes {dimension_semantics = [#tpu.dimension_semantics<arbitrary>], iteration_bounds = array<i64: 20>, scalar_prefetch = 0 : i64, scratch_operands = 0 : i64, tpu.core_type = #tpu.core_type<tc>, window_params = [{transform_indices = @transform_0, window_bounds = array<i64: 32, 2048>}, {transform_indices = @transform_1, window_bounds = array<i64: 32, 2048>}, {transform_indices = @transform_2, window_bounds = array<i64: 32, 2048>}, {transform_indices = @transform_3, window_bounds = array<i64: 32, 2048>}, {transform_indices = @transform_4, window_bounds = array<i64: 4, 2048>}, {pipeline_mode = #tpu.pipeline_mode<synchronous>, transform_indices = @transform_5, window_bounds = array<i64: 64, 4>}, {pipeline_mode = #tpu.pipeline_mode<synchronous>, transform_indices = @transform_6, window_bounds = array<i64: 64, 5>}, {pipeline_mode = #tpu.pipeline_mode<synchronous>, transform_indices = @transform_7, window_bounds = array<i64: 64, 2>}, {transform_indices = @transform_8, window_bounds = array<i64: 2048, 128>}]} {
    %get3A = arith.constant 0 : index
    %get3A_0 = arith.constant 0 : index
    %get3A_1 = vector.load %arg1[%get3A, %get3A_0] : memref<32x2048xf32, #tpu.memory_space<vmem>>, vector<32x2048xf32>
    %get3A_2 = arith.constant 0 : index
    %get3A_3 = arith.constant 0 : index
    %get3A_4 = vector.load %arg2[%get3A_2, %get3A_3] : memref<32x2048xf32, #tpu.memory_space<vmem>>, vector<32x2048xf32>
    %get3A_5 = arith.constant 0 : index
    %get3A_6 = arith.constant 0 : index
    %get3A_7 = vector.load %arg3[%get3A_5, %get3A_6] : memref<32x2048xf32, #tpu.memory_space<vmem>>, vector<32x2048xf32>
    %get3A_8 = arith.constant 0 : index
    %get3A_9 = arith.constant 0 : index
    %get3A_10 = vector.load %arg4[%get3A_8, %get3A_9] : memref<32x2048xf32, #tpu.memory_space<vmem>>, vector<32x2048xf32>
    %get3A_11 = arith.constant 0 : index
    %get3A_12 = arith.constant 0 : index
    %get3A_13 = vector.load %arg5[%get3A_11, %get3A_12] : memref<4x2048xf32, #tpu.memory_space<vmem>>, vector<1x2048xf32>
    %get3A_14 = arith.constant 0 : index
    %get3A_15 = arith.constant 0 : index
    %get3A_16 = vector.load %arg6[%get3A_14, %get3A_15] : memref<64x4xf32, #tpu.memory_space<vmem>>, vector<64x4xf32>
    %broadcast_in_dim3A = arith.constant -1.000000e+30 : f32
    %broadcast_in_dim3A_17 = vector.broadcast %broadcast_in_dim3A : f32 to vector<64x2048xf32>
    %slice3A = vector.extract_strided_slice %get3A_1 {offsets = [0, 0], sizes = [1, 2048], strides = [1, 1]} : vector<32x2048xf32> to vector<1x2048xf32>
    %slice3A_18 = vector.extract_strided_slice %get3A_4 {offsets = [0, 0], sizes = [1, 2048], strides = [1, 1]} : vector<32x2048xf32> to vector<1x2048xf32>
    %slice3A_19 = vector.extract_strided_slice %get3A_7 {offsets = [0, 0], sizes = [1, 2048], strides = [1, 1]} : vector<32x2048xf32> to vector<1x2048xf32>
    %slice3A_20 = vector.extract_strided_slice %get3A_10 {offsets = [0, 0], sizes = [1, 2048], strides = [1, 1]} : vector<32x2048xf32> to vector<1x2048xf32>
    %concatenate3A = tpu.concatenate %slice3A, %slice3A_18, %slice3A_19, %slice3A_20 in 0 : vector<1x2048xf32>, vector<1x2048xf32>, vector<1x2048xf32>, vector<1x2048xf32> -> vector<4x2048xf32>
    %dot_general3A = arith.constant dense<0.000000e+00> : vector<64x2048xf32>
    %dot_general3A_21 = tpu.matmul %get3A_16, %concatenate3A, %dot_general3A {dimension_numbers = #tpu.dot_dimension_numbers<[1], [0], [0], [1], [0, 0, 1, 1], [], []>, transpose_lhs_hint = false} : vector<64x4xf32>, vector<4x2048xf32>, vector<64x2048xf32> -> vector<64x2048xf32>
    %gt3A = arith.constant 0.000000e+00 : f32
    %gt3A_22 = vector.broadcast %gt3A : f32 to vector<1x2048xf32>
    %gt3A_23 = arith.cmpf ogt, %get3A_13, %gt3A_22 : vector<1x2048xf32>
    %jit3A = arith.constant -1.000000e+30 : f32
    %broadcast_in_dim3A_24 = vector.shape_cast %gt3A_23 : vector<1x2048xi1> to vector<1x2048xi1>
    %broadcast_in_dim3A_25 = vector.broadcast %broadcast_in_dim3A_24 : vector<1x2048xi1> to vector<64x2048xi1>
    %broadcast_in_dim3A_26 = vector.broadcast %jit3A : f32 to vector<64x2048xf32>
    %select_n3A = arith.select %broadcast_in_dim3A_25, %dot_general3A_21, %broadcast_in_dim3A_26 : vector<64x2048xi1>, vector<64x2048xf32>
    %max3A = arith.maximumf %broadcast_in_dim3A_17, %select_n3A : vector<64x2048xf32>
    %slice3A_27 = vector.extract_strided_slice %get3A_1 {offsets = [1, 0], sizes = [1, 2048], strides = [1, 1]} : vector<32x2048xf32> to vector<1x2048xf32>
    %slice3A_28 = vector.extract_strided_slice %get3A_4 {offsets = [1, 0], sizes = [1, 2048], strides = [1, 1]} : vector<32x2048xf32> to vector<1x2048xf32>
    %slice3A_29 = vector.extract_strided_slice %get3A_7 {offsets = [1, 0], sizes = [1, 2048], strides = [1, 1]} : vector<32x2048xf32> to vector<1x2048xf32>
    %slice3A_30 = vector.extract_strided_slice %get3A_10 {offsets = [1, 0], sizes = [1, 2048], strides = [1, 1]} : vector<32x2048xf32> to vector<1x2048xf32>
    %concatenate3A_31 = tpu.concatenate %slice3A_27, %slice3A_28, %slice3A_29, %slice3A_30 in 0 : vector<1x2048xf32>, vector<1x2048xf32>, vector<1x2048xf32>, vector<1x2048xf32> -> vector<4x2048xf32>
    %dot_general3A_32 = arith.constant dense<0.000000e+00> : vector<64x2048xf32>
    %dot_general3A_33 = tpu.matmul %get3A_16, %concatenate3A_31, %dot_general3A_32 {dimension_numbers = #tpu.dot_dimension_numbers<[1], [0], [0], [1], [0, 0, 1, 1], [], []>, transpose_lhs_hint = false} : vector<64x4xf32>, vector<4x2048xf32>, vector<64x2048xf32> -> vector<64x2048xf32>
    %gt3A_34 = arith.constant 1.000000e+00 : f32
    %gt3A_35 = vector.broadcast %gt3A_34 : f32 to vector<1x2048xf32>
    %gt3A_36 = arith.cmpf ogt, %get3A_13, %gt3A_35 : vector<1x2048xf32>
    %jit3A_37 = arith.constant -1.000000e+30 : f32
    %broadcast_in_dim3A_38 = vector.shape_cast %gt3A_36 : vector<1x2048xi1> to vector<1x2048xi1>
    %broadcast_in_dim3A_39 = vector.broadcast %broadcast_in_dim3A_38 : vector<1x2048xi1> to vector<64x2048xi1>
    %broadcast_in_dim3A_40 = vector.broadcast %jit3A_37 : f32 to vector<64x2048xf32>
    %select_n3A_41 = arith.select %broadcast_in_dim3A_39, %dot_general3A_33, %broadcast_in_dim3A_40 : vector<64x2048xi1>, vector<64x2048xf32>
    %max3A_42 = arith.maximumf %max3A, %select_n3A_41 : vector<64x2048xf32>
    %slice3A_43 = vector.extract_strided_slice %get3A_1 {offsets = [2, 0], sizes = [1, 2048], strides = [1, 1]} : vector<32x2048xf32> to vector<1x2048xf32>
    %slice3A_44 = vector.extract_strided_slice %get3A_4 {offsets = [2, 0], sizes = [1, 2048], strides = [1, 1]} : vector<32x2048xf32> to vector<1x2048xf32>
    %slice3A_45 = vector.extract_strided_slice %get3A_7 {offsets = [2, 0], sizes = [1, 2048], strides = [1, 1]} : vector<32x2048xf32> to vector<1x2048xf32>
    %slice3A_46 = vector.extract_strided_slice %get3A_10 {offsets = [2, 0], sizes = [1, 2048], strides = [1, 1]} : vector<32x2048xf32> to vector<1x2048xf32>
    %concatenate3A_47 = tpu.concatenate %slice3A_43, %slice3A_44, %slice3A_45, %slice3A_46 in 0 : vector<1x2048xf32>, vector<1x2048xf32>, vector<1x2048xf32>, vector<1x2048xf32> -> vector<4x2048xf32>
    %dot_general3A_48 = arith.constant dense<0.000000e+00> : vector<64x2048xf32>
    %dot_general3A_49 = tpu.matmul %get3A_16, %concatenate3A_47, %dot_general3A_48 {dimension_numbers = #tpu.dot_dimension_numbers<[1], [0], [0], [1], [0, 0, 1, 1], [], []>, transpose_lhs_hint = false} : vector<64x4xf32>, vector<4x2048xf32>, vector<64x2048xf32> -> vector<64x2048xf32>
    %gt3A_50 = arith.constant 2.000000e+00 : f32
    %gt3A_51 = vector.broadcast %gt3A_50 : f32 to vector<1x2048xf32>
    %gt3A_52 = arith.cmpf ogt, %get3A_13, %gt3A_51 : vector<1x2048xf32>
    %jit3A_53 = arith.constant -1.000000e+30 : f32
    %broadcast_in_dim3A_54 = vector.shape_cast %gt3A_52 : vector<1x2048xi1> to vector<1x2048xi1>
    %broadcast_in_dim3A_55 = vector.broadcast %broadcast_in_dim3A_54 : vector<1x2048xi1> to vector<64x2048xi1>
    %broadcast_in_dim3A_56 = vector.broadcast %jit3A_53 : f32 to vector<64x2048xf32>
    %select_n3A_57 = arith.select %broadcast_in_dim3A_55, %dot_general3A_49, %broadcast_in_dim3A_56 : vector<64x2048xi1>, vector<64x2048xf32>
    %max3A_58 = arith.maximumf %max3A_42, %select_n3A_57 : vector<64x2048xf32>
    %slice3A_59 = vector.extract_strided_slice %get3A_1 {offsets = [3, 0], sizes = [1, 2048], strides = [1, 1]} : vector<32x2048xf32> to vector<1x2048xf32>
    %slice3A_60 = vector.extract_strided_slice %get3A_4 {offsets = [3, 0], sizes = [1, 2048], strides = [1, 1]} : vector<32x2048xf32> to vector<1x2048xf32>
    %slice3A_61 = vector.extract_strided_slice %get3A_7 {offsets = [3, 0], sizes = [1, 2048], strides = [1, 1]} : vector<32x2048xf32> to vector<1x2048xf32>
    %slice3A_62 = vector.extract_strided_slice %get3A_10 {offsets = [3, 0], sizes = [1, 2048], strides = [1, 1]} : vector<32x2048xf32> to vector<1x2048xf32>
    %concatenate3A_63 = tpu.concatenate %slice3A_59, %slice3A_60, %slice3A_61, %slice3A_62 in 0 : vector<1x2048xf32>, vector<1x2048xf32>, vector<1x2048xf32>, vector<1x2048xf32> -> vector<4x2048xf32>
    %dot_general3A_64 = arith.constant dense<0.000000e+00> : vector<64x2048xf32>
    %dot_general3A_65 = tpu.matmul %get3A_16, %concatenate3A_63, %dot_general3A_64 {dimension_numbers = #tpu.dot_dimension_numbers<[1], [0], [0], [1], [0, 0, 1, 1], [], []>, transpose_lhs_hint = false} : vector<64x4xf32>, vector<4x2048xf32>, vector<64x2048xf32> -> vector<64x2048xf32>
    %gt3A_66 = arith.constant 3.000000e+00 : f32
    %gt3A_67 = vector.broadcast %gt3A_66 : f32 to vector<1x2048xf32>
    %gt3A_68 = arith.cmpf ogt, %get3A_13, %gt3A_67 : vector<1x2048xf32>
    %jit3A_69 = arith.constant -1.000000e+30 : f32
    %broadcast_in_dim3A_70 = vector.shape_cast %gt3A_68 : vector<1x2048xi1> to vector<1x2048xi1>
    %broadcast_in_dim3A_71 = vector.broadcast %broadcast_in_dim3A_70 : vector<1x2048xi1> to vector<64x2048xi1>
    %broadcast_in_dim3A_72 = vector.broadcast %jit3A_69 : f32 to vector<64x2048xf32>
    %select_n3A_73 = arith.select %broadcast_in_dim3A_71, %dot_general3A_65, %broadcast_in_dim3A_72 : vector<64x2048xi1>, vector<64x2048xf32>
    %max3A_74 = arith.maximumf %max3A_58, %select_n3A_73 : vector<64x2048xf32>
    %slice3A_75 = vector.extract_strided_slice %get3A_1 {offsets = [4, 0], sizes = [1, 2048], strides = [1, 1]} : vector<32x2048xf32> to vector<1x2048xf32>
    %slice3A_76 = vector.extract_strided_slice %get3A_4 {offsets = [4, 0], sizes = [1, 2048], strides = [1, 1]} : vector<32x2048xf32> to vector<1x2048xf32>
    %slice3A_77 = vector.extract_strided_slice %get3A_7 {offsets = [4, 0], sizes = [1, 2048], strides = [1, 1]} : vector<32x2048xf32> to vector<1x2048xf32>
    %slice3A_78 = vector.extract_strided_slice %get3A_10 {offsets = [4, 0], sizes = [1, 2048], strides = [1, 1]} : vector<32x2048xf32> to vector<1x2048xf32>
    %concatenate3A_79 = tpu.concatenate %slice3A_75, %slice3A_76, %slice3A_77, %slice3A_78 in 0 : vector<1x2048xf32>, vector<1x2048xf32>, vector<1x2048xf32>, vector<1x2048xf32> -> vector<4x2048xf32>
    %dot_general3A_80 = arith.constant dense<0.000000e+00> : vector<64x2048xf32>
    %dot_general3A_81 = tpu.matmul %get3A_16, %concatenate3A_79, %dot_general3A_80 {dimension_numbers = #tpu.dot_dimension_numbers<[1], [0], [0], [1], [0, 0, 1, 1], [], []>, transpose_lhs_hint = false} : vector<64x4xf32>, vector<4x2048xf32>, vector<64x2048xf32> -> vector<64x2048xf32>
    %gt3A_82 = arith.constant 4.000000e+00 : f32
    %gt3A_83 = vector.broadcast %gt3A_82 : f32 to vector<1x2048xf32>
    %gt3A_84 = arith.cmpf ogt, %get3A_13, %gt3A_83 : vector<1x2048xf32>
    %jit3A_85 = arith.constant -1.000000e+30 : f32
    %broadcast_in_dim3A_86 = vector.shape_cast %gt3A_84 : vector<1x2048xi1> to vector<1x2048xi1>
    %broadcast_in_dim3A_87 = vector.broadcast %broadcast_in_dim3A_86 : vector<1x2048xi1> to vector<64x2048xi1>
    %broadcast_in_dim3A_88 = vector.broadcast %jit3A_85 : f32 to vector<64x2048xf32>
    %select_n3A_89 = arith.select %broadcast_in_dim3A_87, %dot_general3A_81, %broadcast_in_dim3A_88 : vector<64x2048xi1>, vector<64x2048xf32>
    %max3A_90 = arith.maximumf %max3A_74, %select_n3A_89 : vector<64x2048xf32>
    %slice3A_91 = vector.extract_strided_slice %get3A_1 {offsets = [5, 0], sizes = [1, 2048], strides = [1, 1]} : vector<32x2048xf32> to vector<1x2048xf32>
    %slice3A_92 = vector.extract_strided_slice %get3A_4 {offsets = [5, 0], sizes = [1, 2048], strides = [1, 1]} : vector<32x2048xf32> to vector<1x2048xf32>
    %slice3A_93 = vector.extract_strided_slice %get3A_7 {offsets = [5, 0], sizes = [1, 2048], strides = [1, 1]} : vector<32x2048xf32> to vector<1x2048xf32>
    %slice3A_94 = vector.extract_strided_slice %get3A_10 {offsets = [5, 0], sizes = [1, 2048], strides = [1, 1]} : vector<32x2048xf32> to vector<1x2048xf32>
    %concatenate3A_95 = tpu.concatenate %slice3A_91, %slice3A_92, %slice3A_93, %slice3A_94 in 0 : vector<1x2048xf32>, vector<1x2048xf32>, vector<1x2048xf32>, vector<1x2048xf32> -> vector<4x2048xf32>
    %dot_general3A_96 = arith.constant dense<0.000000e+00> : vector<64x2048xf32>
    %dot_general3A_97 = tpu.matmul %get3A_16, %concatenate3A_95, %dot_general3A_96 {dimension_numbers = #tpu.dot_dimension_numbers<[1], [0], [0], [1], [0, 0, 1, 1], [], []>, transpose_lhs_hint = false} : vector<64x4xf32>, vector<4x2048xf32>, vector<64x2048xf32> -> vector<64x2048xf32>
    %gt3A_98 = arith.constant 5.000000e+00 : f32
    %gt3A_99 = vector.broadcast %gt3A_98 : f32 to vector<1x2048xf32>
    %gt3A_100 = arith.cmpf ogt, %get3A_13, %gt3A_99 : vector<1x2048xf32>
    %jit3A_101 = arith.constant -1.000000e+30 : f32
    %broadcast_in_dim3A_102 = vector.shape_cast %gt3A_100 : vector<1x2048xi1> to vector<1x2048xi1>
    %broadcast_in_dim3A_103 = vector.broadcast %broadcast_in_dim3A_102 : vector<1x2048xi1> to vector<64x2048xi1>
    %broadcast_in_dim3A_104 = vector.broadcast %jit3A_101 : f32 to vector<64x2048xf32>
    %select_n3A_105 = arith.select %broadcast_in_dim3A_103, %dot_general3A_97, %broadcast_in_dim3A_104 : vector<64x2048xi1>, vector<64x2048xf32>
    %max3A_106 = arith.maximumf %max3A_90, %select_n3A_105 : vector<64x2048xf32>
    %slice3A_107 = vector.extract_strided_slice %get3A_1 {offsets = [6, 0], sizes = [1, 2048], strides = [1, 1]} : vector<32x2048xf32> to vector<1x2048xf32>
    %slice3A_108 = vector.extract_strided_slice %get3A_4 {offsets = [6, 0], sizes = [1, 2048], strides = [1, 1]} : vector<32x2048xf32> to vector<1x2048xf32>
    %slice3A_109 = vector.extract_strided_slice %get3A_7 {offsets = [6, 0], sizes = [1, 2048], strides = [1, 1]} : vector<32x2048xf32> to vector<1x2048xf32>
    %slice3A_110 = vector.extract_strided_slice %get3A_10 {offsets = [6, 0], sizes = [1, 2048], strides = [1, 1]} : vector<32x2048xf32> to vector<1x2048xf32>
    %concatenate3A_111 = tpu.concatenate %slice3A_107, %slice3A_108, %slice3A_109, %slice3A_110 in 0 : vector<1x2048xf32>, vector<1x2048xf32>, vector<1x2048xf32>, vector<1x2048xf32> -> vector<4x2048xf32>
    %dot_general3A_112 = arith.constant dense<0.000000e+00> : vector<64x2048xf32>
    %dot_general3A_113 = tpu.matmul %get3A_16, %concatenate3A_111, %dot_general3A_112 {dimension_numbers = #tpu.dot_dimension_numbers<[1], [0], [0], [1], [0, 0, 1, 1], [], []>, transpose_lhs_hint = false} : vector<64x4xf32>, vector<4x2048xf32>, vector<64x2048xf32> -> vector<64x2048xf32>
    %gt3A_114 = arith.constant 6.000000e+00 : f32
    %gt3A_115 = vector.broadcast %gt3A_114 : f32 to vector<1x2048xf32>
    %gt3A_116 = arith.cmpf ogt, %get3A_13, %gt3A_115 : vector<1x2048xf32>
    %jit3A_117 = arith.constant -1.000000e+30 : f32
    %broadcast_in_dim3A_118 = vector.shape_cast %gt3A_116 : vector<1x2048xi1> to vector<1x2048xi1>
    %broadcast_in_dim3A_119 = vector.broadcast %broadcast_in_dim3A_118 : vector<1x2048xi1> to vector<64x2048xi1>
    %broadcast_in_dim3A_120 = vector.broadcast %jit3A_117 : f32 to vector<64x2048xf32>
    %select_n3A_121 = arith.select %broadcast_in_dim3A_119, %dot_general3A_113, %broadcast_in_dim3A_120 : vector<64x2048xi1>, vector<64x2048xf32>
    %max3A_122 = arith.maximumf %max3A_106, %select_n3A_121 : vector<64x2048xf32>
    %slice3A_123 = vector.extract_strided_slice %get3A_1 {offsets = [7, 0], sizes = [1, 2048], strides = [1, 1]} : vector<32x2048xf32> to vector<1x2048xf32>
    %slice3A_124 = vector.extract_strided_slice %get3A_4 {offsets = [7, 0], sizes = [1, 2048], strides = [1, 1]} : vector<32x2048xf32> to vector<1x2048xf32>
    %slice3A_125 = vector.extract_strided_slice %get3A_7 {offsets = [7, 0], sizes = [1, 2048], strides = [1, 1]} : vector<32x2048xf32> to vector<1x2048xf32>
    %slice3A_126 = vector.extract_strided_slice %get3A_10 {offsets = [7, 0], sizes = [1, 2048], strides = [1, 1]} : vector<32x2048xf32> to vector<1x2048xf32>
    %concatenate3A_127 = tpu.concatenate %slice3A_123, %slice3A_124, %slice3A_125, %slice3A_126 in 0 : vector<1x2048xf32>, vector<1x2048xf32>, vector<1x2048xf32>, vector<1x2048xf32> -> vector<4x2048xf32>
    %dot_general3A_128 = arith.constant dense<0.000000e+00> : vector<64x2048xf32>
    %dot_general3A_129 = tpu.matmul %get3A_16, %concatenate3A_127, %dot_general3A_128 {dimension_numbers = #tpu.dot_dimension_numbers<[1], [0], [0], [1], [0, 0, 1, 1], [], []>, transpose_lhs_hint = false} : vector<64x4xf32>, vector<4x2048xf32>, vector<64x2048xf32> -> vector<64x2048xf32>
    %gt3A_130 = arith.constant 7.000000e+00 : f32
    %gt3A_131 = vector.broadcast %gt3A_130 : f32 to vector<1x2048xf32>
    %gt3A_132 = arith.cmpf ogt, %get3A_13, %gt3A_131 : vector<1x2048xf32>
    %jit3A_133 = arith.constant -1.000000e+30 : f32
    %broadcast_in_dim3A_134 = vector.shape_cast %gt3A_132 : vector<1x2048xi1> to vector<1x2048xi1>
    %broadcast_in_dim3A_135 = vector.broadcast %broadcast_in_dim3A_134 : vector<1x2048xi1> to vector<64x2048xi1>
    %broadcast_in_dim3A_136 = vector.broadcast %jit3A_133 : f32 to vector<64x2048xf32>
    %select_n3A_137 = arith.select %broadcast_in_dim3A_135, %dot_general3A_129, %broadcast_in_dim3A_136 : vector<64x2048xi1>, vector<64x2048xf32>
    %max3A_138 = arith.maximumf %max3A_122, %select_n3A_137 : vector<64x2048xf32>
    %slice3A_139 = vector.extract_strided_slice %get3A_1 {offsets = [8, 0], sizes = [1, 2048], strides = [1, 1]} : vector<32x2048xf32> to vector<1x2048xf32>
    %slice3A_140 = vector.extract_strided_slice %get3A_4 {offsets = [8, 0], sizes = [1, 2048], strides = [1, 1]} : vector<32x2048xf32> to vector<1x2048xf32>
    %slice3A_141 = vector.extract_strided_slice %get3A_7 {offsets = [8, 0], sizes = [1, 2048], strides = [1, 1]} : vector<32x2048xf32> to vector<1x2048xf32>
    %slice3A_142 = vector.extract_strided_slice %get3A_10 {offsets = [8, 0], sizes = [1, 2048], strides = [1, 1]} : vector<32x2048xf32> to vector<1x2048xf32>
    %concatenate3A_143 = tpu.concatenate %slice3A_139, %slice3A_140, %slice3A_141, %slice3A_142 in 0 : vector<1x2048xf32>, vector<1x2048xf32>, vector<1x2048xf32>, vector<1x2048xf32> -> vector<4x2048xf32>
    %dot_general3A_144 = arith.constant dense<0.000000e+00> : vector<64x2048xf32>
    %dot_general3A_145 = tpu.matmul %get3A_16, %concatenate3A_143, %dot_general3A_144 {dimension_numbers = #tpu.dot_dimension_numbers<[1], [0], [0], [1], [0, 0, 1, 1], [], []>, transpose_lhs_hint = false} : vector<64x4xf32>, vector<4x2048xf32>, vector<64x2048xf32> -> vector<64x2048xf32>
    %gt3A_146 = arith.constant 8.000000e+00 : f32
    %gt3A_147 = vector.broadcast %gt3A_146 : f32 to vector<1x2048xf32>
    %gt3A_148 = arith.cmpf ogt, %get3A_13, %gt3A_147 : vector<1x2048xf32>
    %jit3A_149 = arith.constant -1.000000e+30 : f32
    %broadcast_in_dim3A_150 = vector.shape_cast %gt3A_148 : vector<1x2048xi1> to vector<1x2048xi1>
    %broadcast_in_dim3A_151 = vector.broadcast %broadcast_in_dim3A_150 : vector<1x2048xi1> to vector<64x2048xi1>
    %broadcast_in_dim3A_152 = vector.broadcast %jit3A_149 : f32 to vector<64x2048xf32>
    %select_n3A_153 = arith.select %broadcast_in_dim3A_151, %dot_general3A_145, %broadcast_in_dim3A_152 : vector<64x2048xi1>, vector<64x2048xf32>
    %max3A_154 = arith.maximumf %max3A_138, %select_n3A_153 : vector<64x2048xf32>
    %slice3A_155 = vector.extract_strided_slice %get3A_1 {offsets = [9, 0], sizes = [1, 2048], strides = [1, 1]} : vector<32x2048xf32> to vector<1x2048xf32>
    %slice3A_156 = vector.extract_strided_slice %get3A_4 {offsets = [9, 0], sizes = [1, 2048], strides = [1, 1]} : vector<32x2048xf32> to vector<1x2048xf32>
    %slice3A_157 = vector.extract_strided_slice %get3A_7 {offsets = [9, 0], sizes = [1, 2048], strides = [1, 1]} : vector<32x2048xf32> to vector<1x2048xf32>
    %slice3A_158 = vector.extract_strided_slice %get3A_10 {offsets = [9, 0], sizes = [1, 2048], strides = [1, 1]} : vector<32x2048xf32> to vector<1x2048xf32>
    %concatenate3A_159 = tpu.concatenate %slice3A_155, %slice3A_156, %slice3A_157, %slice3A_158 in 0 : vector<1x2048xf32>, vector<1x2048xf32>, vector<1x2048xf32>, vector<1x2048xf32> -> vector<4x2048xf32>
    %dot_general3A_160 = arith.constant dense<0.000000e+00> : vector<64x2048xf32>
    %dot_general3A_161 = tpu.matmul %get3A_16, %concatenate3A_159, %dot_general3A_160 {dimension_numbers = #tpu.dot_dimension_numbers<[1], [0], [0], [1], [0, 0, 1, 1], [], []>, transpose_lhs_hint = false} : vector<64x4xf32>, vector<4x2048xf32>, vector<64x2048xf32> -> vector<64x2048xf32>
    %gt3A_162 = arith.constant 9.000000e+00 : f32
    %gt3A_163 = vector.broadcast %gt3A_162 : f32 to vector<1x2048xf32>
    %gt3A_164 = arith.cmpf ogt, %get3A_13, %gt3A_163 : vector<1x2048xf32>
    %jit3A_165 = arith.constant -1.000000e+30 : f32
    %broadcast_in_dim3A_166 = vector.shape_cast %gt3A_164 : vector<1x2048xi1> to vector<1x2048xi1>
    %broadcast_in_dim3A_167 = vector.broadcast %broadcast_in_dim3A_166 : vector<1x2048xi1> to vector<64x2048xi1>
    %broadcast_in_dim3A_168 = vector.broadcast %jit3A_165 : f32 to vector<64x2048xf32>
    %select_n3A_169 = arith.select %broadcast_in_dim3A_167, %dot_general3A_161, %broadcast_in_dim3A_168 : vector<64x2048xi1>, vector<64x2048xf32>
    %max3A_170 = arith.maximumf %max3A_154, %select_n3A_169 : vector<64x2048xf32>
    %slice3A_171 = vector.extract_strided_slice %get3A_1 {offsets = [10, 0], sizes = [1, 2048], strides = [1, 1]} : vector<32x2048xf32> to vector<1x2048xf32>
    %slice3A_172 = vector.extract_strided_slice %get3A_4 {offsets = [10, 0], sizes = [1, 2048], strides = [1, 1]} : vector<32x2048xf32> to vector<1x2048xf32>
    %slice3A_173 = vector.extract_strided_slice %get3A_7 {offsets = [10, 0], sizes = [1, 2048], strides = [1, 1]} : vector<32x2048xf32> to vector<1x2048xf32>
    %slice3A_174 = vector.extract_strided_slice %get3A_10 {offsets = [10, 0], sizes = [1, 2048], strides = [1, 1]} : vector<32x2048xf32> to vector<1x2048xf32>
    %concatenate3A_175 = tpu.concatenate %slice3A_171, %slice3A_172, %slice3A_173, %slice3A_174 in 0 : vector<1x2048xf32>, vector<1x2048xf32>, vector<1x2048xf32>, vector<1x2048xf32> -> vector<4x2048xf32>
    %dot_general3A_176 = arith.constant dense<0.000000e+00> : vector<64x2048xf32>
    %dot_general3A_177 = tpu.matmul %get3A_16, %concatenate3A_175, %dot_general3A_176 {dimension_numbers = #tpu.dot_dimension_numbers<[1], [0], [0], [1], [0, 0, 1, 1], [], []>, transpose_lhs_hint = false} : vector<64x4xf32>, vector<4x2048xf32>, vector<64x2048xf32> -> vector<64x2048xf32>
    %gt3A_178 = arith.constant 1.000000e+01 : f32
    %gt3A_179 = vector.broadcast %gt3A_178 : f32 to vector<1x2048xf32>
    %gt3A_180 = arith.cmpf ogt, %get3A_13, %gt3A_179 : vector<1x2048xf32>
    %jit3A_181 = arith.constant -1.000000e+30 : f32
    %broadcast_in_dim3A_182 = vector.shape_cast %gt3A_180 : vector<1x2048xi1> to vector<1x2048xi1>
    %broadcast_in_dim3A_183 = vector.broadcast %broadcast_in_dim3A_182 : vector<1x2048xi1> to vector<64x2048xi1>
    %broadcast_in_dim3A_184 = vector.broadcast %jit3A_181 : f32 to vector<64x2048xf32>
    %select_n3A_185 = arith.select %broadcast_in_dim3A_183, %dot_general3A_177, %broadcast_in_dim3A_184 : vector<64x2048xi1>, vector<64x2048xf32>
    %max3A_186 = arith.maximumf %max3A_170, %select_n3A_185 : vector<64x2048xf32>
    %slice3A_187 = vector.extract_strided_slice %get3A_1 {offsets = [11, 0], sizes = [1, 2048], strides = [1, 1]} : vector<32x2048xf32> to vector<1x2048xf32>
    %slice3A_188 = vector.extract_strided_slice %get3A_4 {offsets = [11, 0], sizes = [1, 2048], strides = [1, 1]} : vector<32x2048xf32> to vector<1x2048xf32>
    %slice3A_189 = vector.extract_strided_slice %get3A_7 {offsets = [11, 0], sizes = [1, 2048], strides = [1, 1]} : vector<32x2048xf32> to vector<1x2048xf32>
    %slice3A_190 = vector.extract_strided_slice %get3A_10 {offsets = [11, 0], sizes = [1, 2048], strides = [1, 1]} : vector<32x2048xf32> to vector<1x2048xf32>
    %concatenate3A_191 = tpu.concatenate %slice3A_187, %slice3A_188, %slice3A_189, %slice3A_190 in 0 : vector<1x2048xf32>, vector<1x2048xf32>, vector<1x2048xf32>, vector<1x2048xf32> -> vector<4x2048xf32>
    %dot_general3A_192 = arith.constant dense<0.000000e+00> : vector<64x2048xf32>
    %dot_general3A_193 = tpu.matmul %get3A_16, %concatenate3A_191, %dot_general3A_192 {dimension_numbers = #tpu.dot_dimension_numbers<[1], [0], [0], [1], [0, 0, 1, 1], [], []>, transpose_lhs_hint = false} : vector<64x4xf32>, vector<4x2048xf32>, vector<64x2048xf32> -> vector<64x2048xf32>
    %gt3A_194 = arith.constant 1.100000e+01 : f32
    %gt3A_195 = vector.broadcast %gt3A_194 : f32 to vector<1x2048xf32>
    %gt3A_196 = arith.cmpf ogt, %get3A_13, %gt3A_195 : vector<1x2048xf32>
    %jit3A_197 = arith.constant -1.000000e+30 : f32
    %broadcast_in_dim3A_198 = vector.shape_cast %gt3A_196 : vector<1x2048xi1> to vector<1x2048xi1>
    %broadcast_in_dim3A_199 = vector.broadcast %broadcast_in_dim3A_198 : vector<1x2048xi1> to vector<64x2048xi1>
    %broadcast_in_dim3A_200 = vector.broadcast %jit3A_197 : f32 to vector<64x2048xf32>
    %select_n3A_201 = arith.select %broadcast_in_dim3A_199, %dot_general3A_193, %broadcast_in_dim3A_200 : vector<64x2048xi1>, vector<64x2048xf32>
    %max3A_202 = arith.maximumf %max3A_186, %select_n3A_201 : vector<64x2048xf32>
    %slice3A_203 = vector.extract_strided_slice %get3A_1 {offsets = [12, 0], sizes = [1, 2048], strides = [1, 1]} : vector<32x2048xf32> to vector<1x2048xf32>
    %slice3A_204 = vector.extract_strided_slice %get3A_4 {offsets = [12, 0], sizes = [1, 2048], strides = [1, 1]} : vector<32x2048xf32> to vector<1x2048xf32>
    %slice3A_205 = vector.extract_strided_slice %get3A_7 {offsets = [12, 0], sizes = [1, 2048], strides = [1, 1]} : vector<32x2048xf32> to vector<1x2048xf32>
    %slice3A_206 = vector.extract_strided_slice %get3A_10 {offsets = [12, 0], sizes = [1, 2048], strides = [1, 1]} : vector<32x2048xf32> to vector<1x2048xf32>
    %concatenate3A_207 = tpu.concatenate %slice3A_203, %slice3A_204, %slice3A_205, %slice3A_206 in 0 : vector<1x2048xf32>, vector<1x2048xf32>, vector<1x2048xf32>, vector<1x2048xf32> -> vector<4x2048xf32>
    %dot_general3A_208 = arith.constant dense<0.000000e+00> : vector<64x2048xf32>
    %dot_general3A_209 = tpu.matmul %get3A_16, %concatenate3A_207, %dot_general3A_208 {dimension_numbers = #tpu.dot_dimension_numbers<[1], [0], [0], [1], [0, 0, 1, 1], [], []>, transpose_lhs_hint = false} : vector<64x4xf32>, vector<4x2048xf32>, vector<64x2048xf32> -> vector<64x2048xf32>
    %gt3A_210 = arith.constant 1.200000e+01 : f32
    %gt3A_211 = vector.broadcast %gt3A_210 : f32 to vector<1x2048xf32>
    %gt3A_212 = arith.cmpf ogt, %get3A_13, %gt3A_211 : vector<1x2048xf32>
    %jit3A_213 = arith.constant -1.000000e+30 : f32
    %broadcast_in_dim3A_214 = vector.shape_cast %gt3A_212 : vector<1x2048xi1> to vector<1x2048xi1>
    %broadcast_in_dim3A_215 = vector.broadcast %broadcast_in_dim3A_214 : vector<1x2048xi1> to vector<64x2048xi1>
    %broadcast_in_dim3A_216 = vector.broadcast %jit3A_213 : f32 to vector<64x2048xf32>
    %select_n3A_217 = arith.select %broadcast_in_dim3A_215, %dot_general3A_209, %broadcast_in_dim3A_216 : vector<64x2048xi1>, vector<64x2048xf32>
    %max3A_218 = arith.maximumf %max3A_202, %select_n3A_217 : vector<64x2048xf32>
    %slice3A_219 = vector.extract_strided_slice %get3A_1 {offsets = [13, 0], sizes = [1, 2048], strides = [1, 1]} : vector<32x2048xf32> to vector<1x2048xf32>
    %slice3A_220 = vector.extract_strided_slice %get3A_4 {offsets = [13, 0], sizes = [1, 2048], strides = [1, 1]} : vector<32x2048xf32> to vector<1x2048xf32>
    %slice3A_221 = vector.extract_strided_slice %get3A_7 {offsets = [13, 0], sizes = [1, 2048], strides = [1, 1]} : vector<32x2048xf32> to vector<1x2048xf32>
    %slice3A_222 = vector.extract_strided_slice %get3A_10 {offsets = [13, 0], sizes = [1, 2048], strides = [1, 1]} : vector<32x2048xf32> to vector<1x2048xf32>
    %concatenate3A_223 = tpu.concatenate %slice3A_219, %slice3A_220, %slice3A_221, %slice3A_222 in 0 : vector<1x2048xf32>, vector<1x2048xf32>, vector<1x2048xf32>, vector<1x2048xf32> -> vector<4x2048xf32>
    %dot_general3A_224 = arith.constant dense<0.000000e+00> : vector<64x2048xf32>
    %dot_general3A_225 = tpu.matmul %get3A_16, %concatenate3A_223, %dot_general3A_224 {dimension_numbers = #tpu.dot_dimension_numbers<[1], [0], [0], [1], [0, 0, 1, 1], [], []>, transpose_lhs_hint = false} : vector<64x4xf32>, vector<4x2048xf32>, vector<64x2048xf32> -> vector<64x2048xf32>
    %gt3A_226 = arith.constant 1.300000e+01 : f32
    %gt3A_227 = vector.broadcast %gt3A_226 : f32 to vector<1x2048xf32>
    %gt3A_228 = arith.cmpf ogt, %get3A_13, %gt3A_227 : vector<1x2048xf32>
    %jit3A_229 = arith.constant -1.000000e+30 : f32
    %broadcast_in_dim3A_230 = vector.shape_cast %gt3A_228 : vector<1x2048xi1> to vector<1x2048xi1>
    %broadcast_in_dim3A_231 = vector.broadcast %broadcast_in_dim3A_230 : vector<1x2048xi1> to vector<64x2048xi1>
    %broadcast_in_dim3A_232 = vector.broadcast %jit3A_229 : f32 to vector<64x2048xf32>
    %select_n3A_233 = arith.select %broadcast_in_dim3A_231, %dot_general3A_225, %broadcast_in_dim3A_232 : vector<64x2048xi1>, vector<64x2048xf32>
    %max3A_234 = arith.maximumf %max3A_218, %select_n3A_233 : vector<64x2048xf32>
    %slice3A_235 = vector.extract_strided_slice %get3A_1 {offsets = [14, 0], sizes = [1, 2048], strides = [1, 1]} : vector<32x2048xf32> to vector<1x2048xf32>
    %slice3A_236 = vector.extract_strided_slice %get3A_4 {offsets = [14, 0], sizes = [1, 2048], strides = [1, 1]} : vector<32x2048xf32> to vector<1x2048xf32>
    %slice3A_237 = vector.extract_strided_slice %get3A_7 {offsets = [14, 0], sizes = [1, 2048], strides = [1, 1]} : vector<32x2048xf32> to vector<1x2048xf32>
    %slice3A_238 = vector.extract_strided_slice %get3A_10 {offsets = [14, 0], sizes = [1, 2048], strides = [1, 1]} : vector<32x2048xf32> to vector<1x2048xf32>
    %concatenate3A_239 = tpu.concatenate %slice3A_235, %slice3A_236, %slice3A_237, %slice3A_238 in 0 : vector<1x2048xf32>, vector<1x2048xf32>, vector<1x2048xf32>, vector<1x2048xf32> -> vector<4x2048xf32>
    %dot_general3A_240 = arith.constant dense<0.000000e+00> : vector<64x2048xf32>
    %dot_general3A_241 = tpu.matmul %get3A_16, %concatenate3A_239, %dot_general3A_240 {dimension_numbers = #tpu.dot_dimension_numbers<[1], [0], [0], [1], [0, 0, 1, 1], [], []>, transpose_lhs_hint = false} : vector<64x4xf32>, vector<4x2048xf32>, vector<64x2048xf32> -> vector<64x2048xf32>
    %gt3A_242 = arith.constant 1.400000e+01 : f32
    %gt3A_243 = vector.broadcast %gt3A_242 : f32 to vector<1x2048xf32>
    %gt3A_244 = arith.cmpf ogt, %get3A_13, %gt3A_243 : vector<1x2048xf32>
    %jit3A_245 = arith.constant -1.000000e+30 : f32
    %broadcast_in_dim3A_246 = vector.shape_cast %gt3A_244 : vector<1x2048xi1> to vector<1x2048xi1>
    %broadcast_in_dim3A_247 = vector.broadcast %broadcast_in_dim3A_246 : vector<1x2048xi1> to vector<64x2048xi1>
    %broadcast_in_dim3A_248 = vector.broadcast %jit3A_245 : f32 to vector<64x2048xf32>
    %select_n3A_249 = arith.select %broadcast_in_dim3A_247, %dot_general3A_241, %broadcast_in_dim3A_248 : vector<64x2048xi1>, vector<64x2048xf32>
    %max3A_250 = arith.maximumf %max3A_234, %select_n3A_249 : vector<64x2048xf32>
    %slice3A_251 = vector.extract_strided_slice %get3A_1 {offsets = [15, 0], sizes = [1, 2048], strides = [1, 1]} : vector<32x2048xf32> to vector<1x2048xf32>
    %slice3A_252 = vector.extract_strided_slice %get3A_4 {offsets = [15, 0], sizes = [1, 2048], strides = [1, 1]} : vector<32x2048xf32> to vector<1x2048xf32>
    %slice3A_253 = vector.extract_strided_slice %get3A_7 {offsets = [15, 0], sizes = [1, 2048], strides = [1, 1]} : vector<32x2048xf32> to vector<1x2048xf32>
    %slice3A_254 = vector.extract_strided_slice %get3A_10 {offsets = [15, 0], sizes = [1, 2048], strides = [1, 1]} : vector<32x2048xf32> to vector<1x2048xf32>
    %concatenate3A_255 = tpu.concatenate %slice3A_251, %slice3A_252, %slice3A_253, %slice3A_254 in 0 : vector<1x2048xf32>, vector<1x2048xf32>, vector<1x2048xf32>, vector<1x2048xf32> -> vector<4x2048xf32>
    %dot_general3A_256 = arith.constant dense<0.000000e+00> : vector<64x2048xf32>
    %dot_general3A_257 = tpu.matmul %get3A_16, %concatenate3A_255, %dot_general3A_256 {dimension_numbers = #tpu.dot_dimension_numbers<[1], [0], [0], [1], [0, 0, 1, 1], [], []>, transpose_lhs_hint = false} : vector<64x4xf32>, vector<4x2048xf32>, vector<64x2048xf32> -> vector<64x2048xf32>
    %gt3A_258 = arith.constant 1.500000e+01 : f32
    %gt3A_259 = vector.broadcast %gt3A_258 : f32 to vector<1x2048xf32>
    %gt3A_260 = arith.cmpf ogt, %get3A_13, %gt3A_259 : vector<1x2048xf32>
    %jit3A_261 = arith.constant -1.000000e+30 : f32
    %broadcast_in_dim3A_262 = vector.shape_cast %gt3A_260 : vector<1x2048xi1> to vector<1x2048xi1>
    %broadcast_in_dim3A_263 = vector.broadcast %broadcast_in_dim3A_262 : vector<1x2048xi1> to vector<64x2048xi1>
    %broadcast_in_dim3A_264 = vector.broadcast %jit3A_261 : f32 to vector<64x2048xf32>
    %select_n3A_265 = arith.select %broadcast_in_dim3A_263, %dot_general3A_257, %broadcast_in_dim3A_264 : vector<64x2048xi1>, vector<64x2048xf32>
    %max3A_266 = arith.maximumf %max3A_250, %select_n3A_265 : vector<64x2048xf32>
    %slice3A_267 = vector.extract_strided_slice %get3A_1 {offsets = [16, 0], sizes = [1, 2048], strides = [1, 1]} : vector<32x2048xf32> to vector<1x2048xf32>
    %slice3A_268 = vector.extract_strided_slice %get3A_4 {offsets = [16, 0], sizes = [1, 2048], strides = [1, 1]} : vector<32x2048xf32> to vector<1x2048xf32>
    %slice3A_269 = vector.extract_strided_slice %get3A_7 {offsets = [16, 0], sizes = [1, 2048], strides = [1, 1]} : vector<32x2048xf32> to vector<1x2048xf32>
    %slice3A_270 = vector.extract_strided_slice %get3A_10 {offsets = [16, 0], sizes = [1, 2048], strides = [1, 1]} : vector<32x2048xf32> to vector<1x2048xf32>
    %concatenate3A_271 = tpu.concatenate %slice3A_267, %slice3A_268, %slice3A_269, %slice3A_270 in 0 : vector<1x2048xf32>, vector<1x2048xf32>, vector<1x2048xf32>, vector<1x2048xf32> -> vector<4x2048xf32>
    %dot_general3A_272 = arith.constant dense<0.000000e+00> : vector<64x2048xf32>
    %dot_general3A_273 = tpu.matmul %get3A_16, %concatenate3A_271, %dot_general3A_272 {dimension_numbers = #tpu.dot_dimension_numbers<[1], [0], [0], [1], [0, 0, 1, 1], [], []>, transpose_lhs_hint = false} : vector<64x4xf32>, vector<4x2048xf32>, vector<64x2048xf32> -> vector<64x2048xf32>
    %gt3A_274 = arith.constant 1.600000e+01 : f32
    %gt3A_275 = vector.broadcast %gt3A_274 : f32 to vector<1x2048xf32>
    %gt3A_276 = arith.cmpf ogt, %get3A_13, %gt3A_275 : vector<1x2048xf32>
    %jit3A_277 = arith.constant -1.000000e+30 : f32
    %broadcast_in_dim3A_278 = vector.shape_cast %gt3A_276 : vector<1x2048xi1> to vector<1x2048xi1>
    %broadcast_in_dim3A_279 = vector.broadcast %broadcast_in_dim3A_278 : vector<1x2048xi1> to vector<64x2048xi1>
    %broadcast_in_dim3A_280 = vector.broadcast %jit3A_277 : f32 to vector<64x2048xf32>
    %select_n3A_281 = arith.select %broadcast_in_dim3A_279, %dot_general3A_273, %broadcast_in_dim3A_280 : vector<64x2048xi1>, vector<64x2048xf32>
    %max3A_282 = arith.maximumf %max3A_266, %select_n3A_281 : vector<64x2048xf32>
    %slice3A_283 = vector.extract_strided_slice %get3A_1 {offsets = [17, 0], sizes = [1, 2048], strides = [1, 1]} : vector<32x2048xf32> to vector<1x2048xf32>
    %slice3A_284 = vector.extract_strided_slice %get3A_4 {offsets = [17, 0], sizes = [1, 2048], strides = [1, 1]} : vector<32x2048xf32> to vector<1x2048xf32>
    %slice3A_285 = vector.extract_strided_slice %get3A_7 {offsets = [17, 0], sizes = [1, 2048], strides = [1, 1]} : vector<32x2048xf32> to vector<1x2048xf32>
    %slice3A_286 = vector.extract_strided_slice %get3A_10 {offsets = [17, 0], sizes = [1, 2048], strides = [1, 1]} : vector<32x2048xf32> to vector<1x2048xf32>
    %concatenate3A_287 = tpu.concatenate %slice3A_283, %slice3A_284, %slice3A_285, %slice3A_286 in 0 : vector<1x2048xf32>, vector<1x2048xf32>, vector<1x2048xf32>, vector<1x2048xf32> -> vector<4x2048xf32>
    %dot_general3A_288 = arith.constant dense<0.000000e+00> : vector<64x2048xf32>
    %dot_general3A_289 = tpu.matmul %get3A_16, %concatenate3A_287, %dot_general3A_288 {dimension_numbers = #tpu.dot_dimension_numbers<[1], [0], [0], [1], [0, 0, 1, 1], [], []>, transpose_lhs_hint = false} : vector<64x4xf32>, vector<4x2048xf32>, vector<64x2048xf32> -> vector<64x2048xf32>
    %gt3A_290 = arith.constant 1.700000e+01 : f32
    %gt3A_291 = vector.broadcast %gt3A_290 : f32 to vector<1x2048xf32>
    %gt3A_292 = arith.cmpf ogt, %get3A_13, %gt3A_291 : vector<1x2048xf32>
    %jit3A_293 = arith.constant -1.000000e+30 : f32
    %broadcast_in_dim3A_294 = vector.shape_cast %gt3A_292 : vector<1x2048xi1> to vector<1x2048xi1>
    %broadcast_in_dim3A_295 = vector.broadcast %broadcast_in_dim3A_294 : vector<1x2048xi1> to vector<64x2048xi1>
    %broadcast_in_dim3A_296 = vector.broadcast %jit3A_293 : f32 to vector<64x2048xf32>
    %select_n3A_297 = arith.select %broadcast_in_dim3A_295, %dot_general3A_289, %broadcast_in_dim3A_296 : vector<64x2048xi1>, vector<64x2048xf32>
    %max3A_298 = arith.maximumf %max3A_282, %select_n3A_297 : vector<64x2048xf32>
    %slice3A_299 = vector.extract_strided_slice %get3A_1 {offsets = [18, 0], sizes = [1, 2048], strides = [1, 1]} : vector<32x2048xf32> to vector<1x2048xf32>
    %slice3A_300 = vector.extract_strided_slice %get3A_4 {offsets = [18, 0], sizes = [1, 2048], strides = [1, 1]} : vector<32x2048xf32> to vector<1x2048xf32>
    %slice3A_301 = vector.extract_strided_slice %get3A_7 {offsets = [18, 0], sizes = [1, 2048], strides = [1, 1]} : vector<32x2048xf32> to vector<1x2048xf32>
    %slice3A_302 = vector.extract_strided_slice %get3A_10 {offsets = [18, 0], sizes = [1, 2048], strides = [1, 1]} : vector<32x2048xf32> to vector<1x2048xf32>
    %concatenate3A_303 = tpu.concatenate %slice3A_299, %slice3A_300, %slice3A_301, %slice3A_302 in 0 : vector<1x2048xf32>, vector<1x2048xf32>, vector<1x2048xf32>, vector<1x2048xf32> -> vector<4x2048xf32>
    %dot_general3A_304 = arith.constant dense<0.000000e+00> : vector<64x2048xf32>
    %dot_general3A_305 = tpu.matmul %get3A_16, %concatenate3A_303, %dot_general3A_304 {dimension_numbers = #tpu.dot_dimension_numbers<[1], [0], [0], [1], [0, 0, 1, 1], [], []>, transpose_lhs_hint = false} : vector<64x4xf32>, vector<4x2048xf32>, vector<64x2048xf32> -> vector<64x2048xf32>
    %gt3A_306 = arith.constant 1.800000e+01 : f32
    %gt3A_307 = vector.broadcast %gt3A_306 : f32 to vector<1x2048xf32>
    %gt3A_308 = arith.cmpf ogt, %get3A_13, %gt3A_307 : vector<1x2048xf32>
    %jit3A_309 = arith.constant -1.000000e+30 : f32
    %broadcast_in_dim3A_310 = vector.shape_cast %gt3A_308 : vector<1x2048xi1> to vector<1x2048xi1>
    %broadcast_in_dim3A_311 = vector.broadcast %broadcast_in_dim3A_310 : vector<1x2048xi1> to vector<64x2048xi1>
    %broadcast_in_dim3A_312 = vector.broadcast %jit3A_309 : f32 to vector<64x2048xf32>
    %select_n3A_313 = arith.select %broadcast_in_dim3A_311, %dot_general3A_305, %broadcast_in_dim3A_312 : vector<64x2048xi1>, vector<64x2048xf32>
    %max3A_314 = arith.maximumf %max3A_298, %select_n3A_313 : vector<64x2048xf32>
    %slice3A_315 = vector.extract_strided_slice %get3A_1 {offsets = [19, 0], sizes = [1, 2048], strides = [1, 1]} : vector<32x2048xf32> to vector<1x2048xf32>
    %slice3A_316 = vector.extract_strided_slice %get3A_4 {offsets = [19, 0], sizes = [1, 2048], strides = [1, 1]} : vector<32x2048xf32> to vector<1x2048xf32>
    %slice3A_317 = vector.extract_strided_slice %get3A_7 {offsets = [19, 0], sizes = [1, 2048], strides = [1, 1]} : vector<32x2048xf32> to vector<1x2048xf32>
    %slice3A_318 = vector.extract_strided_slice %get3A_10 {offsets = [19, 0], sizes = [1, 2048], strides = [1, 1]} : vector<32x2048xf32> to vector<1x2048xf32>
    %concatenate3A_319 = tpu.concatenate %slice3A_315, %slice3A_316, %slice3A_317, %slice3A_318 in 0 : vector<1x2048xf32>, vector<1x2048xf32>, vector<1x2048xf32>, vector<1x2048xf32> -> vector<4x2048xf32>
    %dot_general3A_320 = arith.constant dense<0.000000e+00> : vector<64x2048xf32>
    %dot_general3A_321 = tpu.matmul %get3A_16, %concatenate3A_319, %dot_general3A_320 {dimension_numbers = #tpu.dot_dimension_numbers<[1], [0], [0], [1], [0, 0, 1, 1], [], []>, transpose_lhs_hint = false} : vector<64x4xf32>, vector<4x2048xf32>, vector<64x2048xf32> -> vector<64x2048xf32>
    %gt3A_322 = arith.constant 1.900000e+01 : f32
    %gt3A_323 = vector.broadcast %gt3A_322 : f32 to vector<1x2048xf32>
    %gt3A_324 = arith.cmpf ogt, %get3A_13, %gt3A_323 : vector<1x2048xf32>
    %jit3A_325 = arith.constant -1.000000e+30 : f32
    %broadcast_in_dim3A_326 = vector.shape_cast %gt3A_324 : vector<1x2048xi1> to vector<1x2048xi1>
    %broadcast_in_dim3A_327 = vector.broadcast %broadcast_in_dim3A_326 : vector<1x2048xi1> to vector<64x2048xi1>
    %broadcast_in_dim3A_328 = vector.broadcast %jit3A_325 : f32 to vector<64x2048xf32>
    %select_n3A_329 = arith.select %broadcast_in_dim3A_327, %dot_general3A_321, %broadcast_in_dim3A_328 : vector<64x2048xi1>, vector<64x2048xf32>
    %max3A_330 = arith.maximumf %max3A_314, %select_n3A_329 : vector<64x2048xf32>
    %slice3A_331 = vector.extract_strided_slice %get3A_1 {offsets = [20, 0], sizes = [1, 2048], strides = [1, 1]} : vector<32x2048xf32> to vector<1x2048xf32>
    %slice3A_332 = vector.extract_strided_slice %get3A_4 {offsets = [20, 0], sizes = [1, 2048], strides = [1, 1]} : vector<32x2048xf32> to vector<1x2048xf32>
    %slice3A_333 = vector.extract_strided_slice %get3A_7 {offsets = [20, 0], sizes = [1, 2048], strides = [1, 1]} : vector<32x2048xf32> to vector<1x2048xf32>
    %slice3A_334 = vector.extract_strided_slice %get3A_10 {offsets = [20, 0], sizes = [1, 2048], strides = [1, 1]} : vector<32x2048xf32> to vector<1x2048xf32>
    %concatenate3A_335 = tpu.concatenate %slice3A_331, %slice3A_332, %slice3A_333, %slice3A_334 in 0 : vector<1x2048xf32>, vector<1x2048xf32>, vector<1x2048xf32>, vector<1x2048xf32> -> vector<4x2048xf32>
    %dot_general3A_336 = arith.constant dense<0.000000e+00> : vector<64x2048xf32>
    %dot_general3A_337 = tpu.matmul %get3A_16, %concatenate3A_335, %dot_general3A_336 {dimension_numbers = #tpu.dot_dimension_numbers<[1], [0], [0], [1], [0, 0, 1, 1], [], []>, transpose_lhs_hint = false} : vector<64x4xf32>, vector<4x2048xf32>, vector<64x2048xf32> -> vector<64x2048xf32>
    %gt3A_338 = arith.constant 2.000000e+01 : f32
    %gt3A_339 = vector.broadcast %gt3A_338 : f32 to vector<1x2048xf32>
    %gt3A_340 = arith.cmpf ogt, %get3A_13, %gt3A_339 : vector<1x2048xf32>
    %jit3A_341 = arith.constant -1.000000e+30 : f32
    %broadcast_in_dim3A_342 = vector.shape_cast %gt3A_340 : vector<1x2048xi1> to vector<1x2048xi1>
    %broadcast_in_dim3A_343 = vector.broadcast %broadcast_in_dim3A_342 : vector<1x2048xi1> to vector<64x2048xi1>
    %broadcast_in_dim3A_344 = vector.broadcast %jit3A_341 : f32 to vector<64x2048xf32>
    %select_n3A_345 = arith.select %broadcast_in_dim3A_343, %dot_general3A_337, %broadcast_in_dim3A_344 : vector<64x2048xi1>, vector<64x2048xf32>
    %max3A_346 = arith.maximumf %max3A_330, %select_n3A_345 : vector<64x2048xf32>
    %slice3A_347 = vector.extract_strided_slice %get3A_1 {offsets = [21, 0], sizes = [1, 2048], strides = [1, 1]} : vector<32x2048xf32> to vector<1x2048xf32>
    %slice3A_348 = vector.extract_strided_slice %get3A_4 {offsets = [21, 0], sizes = [1, 2048], strides = [1, 1]} : vector<32x2048xf32> to vector<1x2048xf32>
    %slice3A_349 = vector.extract_strided_slice %get3A_7 {offsets = [21, 0], sizes = [1, 2048], strides = [1, 1]} : vector<32x2048xf32> to vector<1x2048xf32>
    %slice3A_350 = vector.extract_strided_slice %get3A_10 {offsets = [21, 0], sizes = [1, 2048], strides = [1, 1]} : vector<32x2048xf32> to vector<1x2048xf32>
    %concatenate3A_351 = tpu.concatenate %slice3A_347, %slice3A_348, %slice3A_349, %slice3A_350 in 0 : vector<1x2048xf32>, vector<1x2048xf32>, vector<1x2048xf32>, vector<1x2048xf32> -> vector<4x2048xf32>
    %dot_general3A_352 = arith.constant dense<0.000000e+00> : vector<64x2048xf32>
    %dot_general3A_353 = tpu.matmul %get3A_16, %concatenate3A_351, %dot_general3A_352 {dimension_numbers = #tpu.dot_dimension_numbers<[1], [0], [0], [1], [0, 0, 1, 1], [], []>, transpose_lhs_hint = false} : vector<64x4xf32>, vector<4x2048xf32>, vector<64x2048xf32> -> vector<64x2048xf32>
    %gt3A_354 = arith.constant 2.100000e+01 : f32
    %gt3A_355 = vector.broadcast %gt3A_354 : f32 to vector<1x2048xf32>
    %gt3A_356 = arith.cmpf ogt, %get3A_13, %gt3A_355 : vector<1x2048xf32>
    %jit3A_357 = arith.constant -1.000000e+30 : f32
    %broadcast_in_dim3A_358 = vector.shape_cast %gt3A_356 : vector<1x2048xi1> to vector<1x2048xi1>
    %broadcast_in_dim3A_359 = vector.broadcast %broadcast_in_dim3A_358 : vector<1x2048xi1> to vector<64x2048xi1>
    %broadcast_in_dim3A_360 = vector.broadcast %jit3A_357 : f32 to vector<64x2048xf32>
    %select_n3A_361 = arith.select %broadcast_in_dim3A_359, %dot_general3A_353, %broadcast_in_dim3A_360 : vector<64x2048xi1>, vector<64x2048xf32>
    %max3A_362 = arith.maximumf %max3A_346, %select_n3A_361 : vector<64x2048xf32>
    %slice3A_363 = vector.extract_strided_slice %get3A_1 {offsets = [22, 0], sizes = [1, 2048], strides = [1, 1]} : vector<32x2048xf32> to vector<1x2048xf32>
    %slice3A_364 = vector.extract_strided_slice %get3A_4 {offsets = [22, 0], sizes = [1, 2048], strides = [1, 1]} : vector<32x2048xf32> to vector<1x2048xf32>
    %slice3A_365 = vector.extract_strided_slice %get3A_7 {offsets = [22, 0], sizes = [1, 2048], strides = [1, 1]} : vector<32x2048xf32> to vector<1x2048xf32>
    %slice3A_366 = vector.extract_strided_slice %get3A_10 {offsets = [22, 0], sizes = [1, 2048], strides = [1, 1]} : vector<32x2048xf32> to vector<1x2048xf32>
    %concatenate3A_367 = tpu.concatenate %slice3A_363, %slice3A_364, %slice3A_365, %slice3A_366 in 0 : vector<1x2048xf32>, vector<1x2048xf32>, vector<1x2048xf32>, vector<1x2048xf32> -> vector<4x2048xf32>
    %dot_general3A_368 = arith.constant dense<0.000000e+00> : vector<64x2048xf32>
    %dot_general3A_369 = tpu.matmul %get3A_16, %concatenate3A_367, %dot_general3A_368 {dimension_numbers = #tpu.dot_dimension_numbers<[1], [0], [0], [1], [0, 0, 1, 1], [], []>, transpose_lhs_hint = false} : vector<64x4xf32>, vector<4x2048xf32>, vector<64x2048xf32> -> vector<64x2048xf32>
    %gt3A_370 = arith.constant 2.200000e+01 : f32
    %gt3A_371 = vector.broadcast %gt3A_370 : f32 to vector<1x2048xf32>
    %gt3A_372 = arith.cmpf ogt, %get3A_13, %gt3A_371 : vector<1x2048xf32>
    %jit3A_373 = arith.constant -1.000000e+30 : f32
    %broadcast_in_dim3A_374 = vector.shape_cast %gt3A_372 : vector<1x2048xi1> to vector<1x2048xi1>
    %broadcast_in_dim3A_375 = vector.broadcast %broadcast_in_dim3A_374 : vector<1x2048xi1> to vector<64x2048xi1>
    %broadcast_in_dim3A_376 = vector.broadcast %jit3A_373 : f32 to vector<64x2048xf32>
    %select_n3A_377 = arith.select %broadcast_in_dim3A_375, %dot_general3A_369, %broadcast_in_dim3A_376 : vector<64x2048xi1>, vector<64x2048xf32>
    %max3A_378 = arith.maximumf %max3A_362, %select_n3A_377 : vector<64x2048xf32>
    %slice3A_379 = vector.extract_strided_slice %get3A_1 {offsets = [23, 0], sizes = [1, 2048], strides = [1, 1]} : vector<32x2048xf32> to vector<1x2048xf32>
    %slice3A_380 = vector.extract_strided_slice %get3A_4 {offsets = [23, 0], sizes = [1, 2048], strides = [1, 1]} : vector<32x2048xf32> to vector<1x2048xf32>
    %slice3A_381 = vector.extract_strided_slice %get3A_7 {offsets = [23, 0], sizes = [1, 2048], strides = [1, 1]} : vector<32x2048xf32> to vector<1x2048xf32>
    %slice3A_382 = vector.extract_strided_slice %get3A_10 {offsets = [23, 0], sizes = [1, 2048], strides = [1, 1]} : vector<32x2048xf32> to vector<1x2048xf32>
    %concatenate3A_383 = tpu.concatenate %slice3A_379, %slice3A_380, %slice3A_381, %slice3A_382 in 0 : vector<1x2048xf32>, vector<1x2048xf32>, vector<1x2048xf32>, vector<1x2048xf32> -> vector<4x2048xf32>
    %dot_general3A_384 = arith.constant dense<0.000000e+00> : vector<64x2048xf32>
    %dot_general3A_385 = tpu.matmul %get3A_16, %concatenate3A_383, %dot_general3A_384 {dimension_numbers = #tpu.dot_dimension_numbers<[1], [0], [0], [1], [0, 0, 1, 1], [], []>, transpose_lhs_hint = false} : vector<64x4xf32>, vector<4x2048xf32>, vector<64x2048xf32> -> vector<64x2048xf32>
    %gt3A_386 = arith.constant 2.300000e+01 : f32
    %gt3A_387 = vector.broadcast %gt3A_386 : f32 to vector<1x2048xf32>
    %gt3A_388 = arith.cmpf ogt, %get3A_13, %gt3A_387 : vector<1x2048xf32>
    %jit3A_389 = arith.constant -1.000000e+30 : f32
    %broadcast_in_dim3A_390 = vector.shape_cast %gt3A_388 : vector<1x2048xi1> to vector<1x2048xi1>
    %broadcast_in_dim3A_391 = vector.broadcast %broadcast_in_dim3A_390 : vector<1x2048xi1> to vector<64x2048xi1>
    %broadcast_in_dim3A_392 = vector.broadcast %jit3A_389 : f32 to vector<64x2048xf32>
    %select_n3A_393 = arith.select %broadcast_in_dim3A_391, %dot_general3A_385, %broadcast_in_dim3A_392 : vector<64x2048xi1>, vector<64x2048xf32>
    %max3A_394 = arith.maximumf %max3A_378, %select_n3A_393 : vector<64x2048xf32>
    %slice3A_395 = vector.extract_strided_slice %get3A_1 {offsets = [24, 0], sizes = [1, 2048], strides = [1, 1]} : vector<32x2048xf32> to vector<1x2048xf32>
    %slice3A_396 = vector.extract_strided_slice %get3A_4 {offsets = [24, 0], sizes = [1, 2048], strides = [1, 1]} : vector<32x2048xf32> to vector<1x2048xf32>
    %slice3A_397 = vector.extract_strided_slice %get3A_7 {offsets = [24, 0], sizes = [1, 2048], strides = [1, 1]} : vector<32x2048xf32> to vector<1x2048xf32>
    %slice3A_398 = vector.extract_strided_slice %get3A_10 {offsets = [24, 0], sizes = [1, 2048], strides = [1, 1]} : vector<32x2048xf32> to vector<1x2048xf32>
    %concatenate3A_399 = tpu.concatenate %slice3A_395, %slice3A_396, %slice3A_397, %slice3A_398 in 0 : vector<1x2048xf32>, vector<1x2048xf32>, vector<1x2048xf32>, vector<1x2048xf32> -> vector<4x2048xf32>
    %dot_general3A_400 = arith.constant dense<0.000000e+00> : vector<64x2048xf32>
    %dot_general3A_401 = tpu.matmul %get3A_16, %concatenate3A_399, %dot_general3A_400 {dimension_numbers = #tpu.dot_dimension_numbers<[1], [0], [0], [1], [0, 0, 1, 1], [], []>, transpose_lhs_hint = false} : vector<64x4xf32>, vector<4x2048xf32>, vector<64x2048xf32> -> vector<64x2048xf32>
    %gt3A_402 = arith.constant 2.400000e+01 : f32
    %gt3A_403 = vector.broadcast %gt3A_402 : f32 to vector<1x2048xf32>
    %gt3A_404 = arith.cmpf ogt, %get3A_13, %gt3A_403 : vector<1x2048xf32>
    %jit3A_405 = arith.constant -1.000000e+30 : f32
    %broadcast_in_dim3A_406 = vector.shape_cast %gt3A_404 : vector<1x2048xi1> to vector<1x2048xi1>
    %broadcast_in_dim3A_407 = vector.broadcast %broadcast_in_dim3A_406 : vector<1x2048xi1> to vector<64x2048xi1>
    %broadcast_in_dim3A_408 = vector.broadcast %jit3A_405 : f32 to vector<64x2048xf32>
    %select_n3A_409 = arith.select %broadcast_in_dim3A_407, %dot_general3A_401, %broadcast_in_dim3A_408 : vector<64x2048xi1>, vector<64x2048xf32>
    %max3A_410 = arith.maximumf %max3A_394, %select_n3A_409 : vector<64x2048xf32>
    %slice3A_411 = vector.extract_strided_slice %get3A_1 {offsets = [25, 0], sizes = [1, 2048], strides = [1, 1]} : vector<32x2048xf32> to vector<1x2048xf32>
    %slice3A_412 = vector.extract_strided_slice %get3A_4 {offsets = [25, 0], sizes = [1, 2048], strides = [1, 1]} : vector<32x2048xf32> to vector<1x2048xf32>
    %slice3A_413 = vector.extract_strided_slice %get3A_7 {offsets = [25, 0], sizes = [1, 2048], strides = [1, 1]} : vector<32x2048xf32> to vector<1x2048xf32>
    %slice3A_414 = vector.extract_strided_slice %get3A_10 {offsets = [25, 0], sizes = [1, 2048], strides = [1, 1]} : vector<32x2048xf32> to vector<1x2048xf32>
    %concatenate3A_415 = tpu.concatenate %slice3A_411, %slice3A_412, %slice3A_413, %slice3A_414 in 0 : vector<1x2048xf32>, vector<1x2048xf32>, vector<1x2048xf32>, vector<1x2048xf32> -> vector<4x2048xf32>
    %dot_general3A_416 = arith.constant dense<0.000000e+00> : vector<64x2048xf32>
    %dot_general3A_417 = tpu.matmul %get3A_16, %concatenate3A_415, %dot_general3A_416 {dimension_numbers = #tpu.dot_dimension_numbers<[1], [0], [0], [1], [0, 0, 1, 1], [], []>, transpose_lhs_hint = false} : vector<64x4xf32>, vector<4x2048xf32>, vector<64x2048xf32> -> vector<64x2048xf32>
    %gt3A_418 = arith.constant 2.500000e+01 : f32
    %gt3A_419 = vector.broadcast %gt3A_418 : f32 to vector<1x2048xf32>
    %gt3A_420 = arith.cmpf ogt, %get3A_13, %gt3A_419 : vector<1x2048xf32>
    %jit3A_421 = arith.constant -1.000000e+30 : f32
    %broadcast_in_dim3A_422 = vector.shape_cast %gt3A_420 : vector<1x2048xi1> to vector<1x2048xi1>
    %broadcast_in_dim3A_423 = vector.broadcast %broadcast_in_dim3A_422 : vector<1x2048xi1> to vector<64x2048xi1>
    %broadcast_in_dim3A_424 = vector.broadcast %jit3A_421 : f32 to vector<64x2048xf32>
    %select_n3A_425 = arith.select %broadcast_in_dim3A_423, %dot_general3A_417, %broadcast_in_dim3A_424 : vector<64x2048xi1>, vector<64x2048xf32>
    %max3A_426 = arith.maximumf %max3A_410, %select_n3A_425 : vector<64x2048xf32>
    %slice3A_427 = vector.extract_strided_slice %get3A_1 {offsets = [26, 0], sizes = [1, 2048], strides = [1, 1]} : vector<32x2048xf32> to vector<1x2048xf32>
    %slice3A_428 = vector.extract_strided_slice %get3A_4 {offsets = [26, 0], sizes = [1, 2048], strides = [1, 1]} : vector<32x2048xf32> to vector<1x2048xf32>
    %slice3A_429 = vector.extract_strided_slice %get3A_7 {offsets = [26, 0], sizes = [1, 2048], strides = [1, 1]} : vector<32x2048xf32> to vector<1x2048xf32>
    %slice3A_430 = vector.extract_strided_slice %get3A_10 {offsets = [26, 0], sizes = [1, 2048], strides = [1, 1]} : vector<32x2048xf32> to vector<1x2048xf32>
    %concatenate3A_431 = tpu.concatenate %slice3A_427, %slice3A_428, %slice3A_429, %slice3A_430 in 0 : vector<1x2048xf32>, vector<1x2048xf32>, vector<1x2048xf32>, vector<1x2048xf32> -> vector<4x2048xf32>
    %dot_general3A_432 = arith.constant dense<0.000000e+00> : vector<64x2048xf32>
    %dot_general3A_433 = tpu.matmul %get3A_16, %concatenate3A_431, %dot_general3A_432 {dimension_numbers = #tpu.dot_dimension_numbers<[1], [0], [0], [1], [0, 0, 1, 1], [], []>, transpose_lhs_hint = false} : vector<64x4xf32>, vector<4x2048xf32>, vector<64x2048xf32> -> vector<64x2048xf32>
    %gt3A_434 = arith.constant 2.600000e+01 : f32
    %gt3A_435 = vector.broadcast %gt3A_434 : f32 to vector<1x2048xf32>
    %gt3A_436 = arith.cmpf ogt, %get3A_13, %gt3A_435 : vector<1x2048xf32>
    %jit3A_437 = arith.constant -1.000000e+30 : f32
    %broadcast_in_dim3A_438 = vector.shape_cast %gt3A_436 : vector<1x2048xi1> to vector<1x2048xi1>
    %broadcast_in_dim3A_439 = vector.broadcast %broadcast_in_dim3A_438 : vector<1x2048xi1> to vector<64x2048xi1>
    %broadcast_in_dim3A_440 = vector.broadcast %jit3A_437 : f32 to vector<64x2048xf32>
    %select_n3A_441 = arith.select %broadcast_in_dim3A_439, %dot_general3A_433, %broadcast_in_dim3A_440 : vector<64x2048xi1>, vector<64x2048xf32>
    %max3A_442 = arith.maximumf %max3A_426, %select_n3A_441 : vector<64x2048xf32>
    %slice3A_443 = vector.extract_strided_slice %get3A_1 {offsets = [27, 0], sizes = [1, 2048], strides = [1, 1]} : vector<32x2048xf32> to vector<1x2048xf32>
    %slice3A_444 = vector.extract_strided_slice %get3A_4 {offsets = [27, 0], sizes = [1, 2048], strides = [1, 1]} : vector<32x2048xf32> to vector<1x2048xf32>
    %slice3A_445 = vector.extract_strided_slice %get3A_7 {offsets = [27, 0], sizes = [1, 2048], strides = [1, 1]} : vector<32x2048xf32> to vector<1x2048xf32>
    %slice3A_446 = vector.extract_strided_slice %get3A_10 {offsets = [27, 0], sizes = [1, 2048], strides = [1, 1]} : vector<32x2048xf32> to vector<1x2048xf32>
    %concatenate3A_447 = tpu.concatenate %slice3A_443, %slice3A_444, %slice3A_445, %slice3A_446 in 0 : vector<1x2048xf32>, vector<1x2048xf32>, vector<1x2048xf32>, vector<1x2048xf32> -> vector<4x2048xf32>
    %dot_general3A_448 = arith.constant dense<0.000000e+00> : vector<64x2048xf32>
    %dot_general3A_449 = tpu.matmul %get3A_16, %concatenate3A_447, %dot_general3A_448 {dimension_numbers = #tpu.dot_dimension_numbers<[1], [0], [0], [1], [0, 0, 1, 1], [], []>, transpose_lhs_hint = false} : vector<64x4xf32>, vector<4x2048xf32>, vector<64x2048xf32> -> vector<64x2048xf32>
    %gt3A_450 = arith.constant 2.700000e+01 : f32
    %gt3A_451 = vector.broadcast %gt3A_450 : f32 to vector<1x2048xf32>
    %gt3A_452 = arith.cmpf ogt, %get3A_13, %gt3A_451 : vector<1x2048xf32>
    %jit3A_453 = arith.constant -1.000000e+30 : f32
    %broadcast_in_dim3A_454 = vector.shape_cast %gt3A_452 : vector<1x2048xi1> to vector<1x2048xi1>
    %broadcast_in_dim3A_455 = vector.broadcast %broadcast_in_dim3A_454 : vector<1x2048xi1> to vector<64x2048xi1>
    %broadcast_in_dim3A_456 = vector.broadcast %jit3A_453 : f32 to vector<64x2048xf32>
    %select_n3A_457 = arith.select %broadcast_in_dim3A_455, %dot_general3A_449, %broadcast_in_dim3A_456 : vector<64x2048xi1>, vector<64x2048xf32>
    %max3A_458 = arith.maximumf %max3A_442, %select_n3A_457 : vector<64x2048xf32>
    %slice3A_459 = vector.extract_strided_slice %get3A_1 {offsets = [28, 0], sizes = [1, 2048], strides = [1, 1]} : vector<32x2048xf32> to vector<1x2048xf32>
    %slice3A_460 = vector.extract_strided_slice %get3A_4 {offsets = [28, 0], sizes = [1, 2048], strides = [1, 1]} : vector<32x2048xf32> to vector<1x2048xf32>
    %slice3A_461 = vector.extract_strided_slice %get3A_7 {offsets = [28, 0], sizes = [1, 2048], strides = [1, 1]} : vector<32x2048xf32> to vector<1x2048xf32>
    %slice3A_462 = vector.extract_strided_slice %get3A_10 {offsets = [28, 0], sizes = [1, 2048], strides = [1, 1]} : vector<32x2048xf32> to vector<1x2048xf32>
    %concatenate3A_463 = tpu.concatenate %slice3A_459, %slice3A_460, %slice3A_461, %slice3A_462 in 0 : vector<1x2048xf32>, vector<1x2048xf32>, vector<1x2048xf32>, vector<1x2048xf32> -> vector<4x2048xf32>
    %dot_general3A_464 = arith.constant dense<0.000000e+00> : vector<64x2048xf32>
    %dot_general3A_465 = tpu.matmul %get3A_16, %concatenate3A_463, %dot_general3A_464 {dimension_numbers = #tpu.dot_dimension_numbers<[1], [0], [0], [1], [0, 0, 1, 1], [], []>, transpose_lhs_hint = false} : vector<64x4xf32>, vector<4x2048xf32>, vector<64x2048xf32> -> vector<64x2048xf32>
    %gt3A_466 = arith.constant 2.800000e+01 : f32
    %gt3A_467 = vector.broadcast %gt3A_466 : f32 to vector<1x2048xf32>
    %gt3A_468 = arith.cmpf ogt, %get3A_13, %gt3A_467 : vector<1x2048xf32>
    %jit3A_469 = arith.constant -1.000000e+30 : f32
    %broadcast_in_dim3A_470 = vector.shape_cast %gt3A_468 : vector<1x2048xi1> to vector<1x2048xi1>
    %broadcast_in_dim3A_471 = vector.broadcast %broadcast_in_dim3A_470 : vector<1x2048xi1> to vector<64x2048xi1>
    %broadcast_in_dim3A_472 = vector.broadcast %jit3A_469 : f32 to vector<64x2048xf32>
    %select_n3A_473 = arith.select %broadcast_in_dim3A_471, %dot_general3A_465, %broadcast_in_dim3A_472 : vector<64x2048xi1>, vector<64x2048xf32>
    %max3A_474 = arith.maximumf %max3A_458, %select_n3A_473 : vector<64x2048xf32>
    %slice3A_475 = vector.extract_strided_slice %get3A_1 {offsets = [29, 0], sizes = [1, 2048], strides = [1, 1]} : vector<32x2048xf32> to vector<1x2048xf32>
    %slice3A_476 = vector.extract_strided_slice %get3A_4 {offsets = [29, 0], sizes = [1, 2048], strides = [1, 1]} : vector<32x2048xf32> to vector<1x2048xf32>
    %slice3A_477 = vector.extract_strided_slice %get3A_7 {offsets = [29, 0], sizes = [1, 2048], strides = [1, 1]} : vector<32x2048xf32> to vector<1x2048xf32>
    %slice3A_478 = vector.extract_strided_slice %get3A_10 {offsets = [29, 0], sizes = [1, 2048], strides = [1, 1]} : vector<32x2048xf32> to vector<1x2048xf32>
    %concatenate3A_479 = tpu.concatenate %slice3A_475, %slice3A_476, %slice3A_477, %slice3A_478 in 0 : vector<1x2048xf32>, vector<1x2048xf32>, vector<1x2048xf32>, vector<1x2048xf32> -> vector<4x2048xf32>
    %dot_general3A_480 = arith.constant dense<0.000000e+00> : vector<64x2048xf32>
    %dot_general3A_481 = tpu.matmul %get3A_16, %concatenate3A_479, %dot_general3A_480 {dimension_numbers = #tpu.dot_dimension_numbers<[1], [0], [0], [1], [0, 0, 1, 1], [], []>, transpose_lhs_hint = false} : vector<64x4xf32>, vector<4x2048xf32>, vector<64x2048xf32> -> vector<64x2048xf32>
    %gt3A_482 = arith.constant 2.900000e+01 : f32
    %gt3A_483 = vector.broadcast %gt3A_482 : f32 to vector<1x2048xf32>
    %gt3A_484 = arith.cmpf ogt, %get3A_13, %gt3A_483 : vector<1x2048xf32>
    %jit3A_485 = arith.constant -1.000000e+30 : f32
    %broadcast_in_dim3A_486 = vector.shape_cast %gt3A_484 : vector<1x2048xi1> to vector<1x2048xi1>
    %broadcast_in_dim3A_487 = vector.broadcast %broadcast_in_dim3A_486 : vector<1x2048xi1> to vector<64x2048xi1>
    %broadcast_in_dim3A_488 = vector.broadcast %jit3A_485 : f32 to vector<64x2048xf32>
    %select_n3A_489 = arith.select %broadcast_in_dim3A_487, %dot_general3A_481, %broadcast_in_dim3A_488 : vector<64x2048xi1>, vector<64x2048xf32>
    %max3A_490 = arith.maximumf %max3A_474, %select_n3A_489 : vector<64x2048xf32>
    %slice3A_491 = vector.extract_strided_slice %get3A_1 {offsets = [30, 0], sizes = [1, 2048], strides = [1, 1]} : vector<32x2048xf32> to vector<1x2048xf32>
    %slice3A_492 = vector.extract_strided_slice %get3A_4 {offsets = [30, 0], sizes = [1, 2048], strides = [1, 1]} : vector<32x2048xf32> to vector<1x2048xf32>
    %slice3A_493 = vector.extract_strided_slice %get3A_7 {offsets = [30, 0], sizes = [1, 2048], strides = [1, 1]} : vector<32x2048xf32> to vector<1x2048xf32>
    %slice3A_494 = vector.extract_strided_slice %get3A_10 {offsets = [30, 0], sizes = [1, 2048], strides = [1, 1]} : vector<32x2048xf32> to vector<1x2048xf32>
    %concatenate3A_495 = tpu.concatenate %slice3A_491, %slice3A_492, %slice3A_493, %slice3A_494 in 0 : vector<1x2048xf32>, vector<1x2048xf32>, vector<1x2048xf32>, vector<1x2048xf32> -> vector<4x2048xf32>
    %dot_general3A_496 = arith.constant dense<0.000000e+00> : vector<64x2048xf32>
    %dot_general3A_497 = tpu.matmul %get3A_16, %concatenate3A_495, %dot_general3A_496 {dimension_numbers = #tpu.dot_dimension_numbers<[1], [0], [0], [1], [0, 0, 1, 1], [], []>, transpose_lhs_hint = false} : vector<64x4xf32>, vector<4x2048xf32>, vector<64x2048xf32> -> vector<64x2048xf32>
    %gt3A_498 = arith.constant 3.000000e+01 : f32
    %gt3A_499 = vector.broadcast %gt3A_498 : f32 to vector<1x2048xf32>
    %gt3A_500 = arith.cmpf ogt, %get3A_13, %gt3A_499 : vector<1x2048xf32>
    %jit3A_501 = arith.constant -1.000000e+30 : f32
    %broadcast_in_dim3A_502 = vector.shape_cast %gt3A_500 : vector<1x2048xi1> to vector<1x2048xi1>
    %broadcast_in_dim3A_503 = vector.broadcast %broadcast_in_dim3A_502 : vector<1x2048xi1> to vector<64x2048xi1>
    %broadcast_in_dim3A_504 = vector.broadcast %jit3A_501 : f32 to vector<64x2048xf32>
    %select_n3A_505 = arith.select %broadcast_in_dim3A_503, %dot_general3A_497, %broadcast_in_dim3A_504 : vector<64x2048xi1>, vector<64x2048xf32>
    %max3A_506 = arith.maximumf %max3A_490, %select_n3A_505 : vector<64x2048xf32>
    %slice3A_507 = vector.extract_strided_slice %get3A_1 {offsets = [31, 0], sizes = [1, 2048], strides = [1, 1]} : vector<32x2048xf32> to vector<1x2048xf32>
    %slice3A_508 = vector.extract_strided_slice %get3A_4 {offsets = [31, 0], sizes = [1, 2048], strides = [1, 1]} : vector<32x2048xf32> to vector<1x2048xf32>
    %slice3A_509 = vector.extract_strided_slice %get3A_7 {offsets = [31, 0], sizes = [1, 2048], strides = [1, 1]} : vector<32x2048xf32> to vector<1x2048xf32>
    %slice3A_510 = vector.extract_strided_slice %get3A_10 {offsets = [31, 0], sizes = [1, 2048], strides = [1, 1]} : vector<32x2048xf32> to vector<1x2048xf32>
    %concatenate3A_511 = tpu.concatenate %slice3A_507, %slice3A_508, %slice3A_509, %slice3A_510 in 0 : vector<1x2048xf32>, vector<1x2048xf32>, vector<1x2048xf32>, vector<1x2048xf32> -> vector<4x2048xf32>
    %dot_general3A_512 = arith.constant dense<0.000000e+00> : vector<64x2048xf32>
    %dot_general3A_513 = tpu.matmul %get3A_16, %concatenate3A_511, %dot_general3A_512 {dimension_numbers = #tpu.dot_dimension_numbers<[1], [0], [0], [1], [0, 0, 1, 1], [], []>, transpose_lhs_hint = false} : vector<64x4xf32>, vector<4x2048xf32>, vector<64x2048xf32> -> vector<64x2048xf32>
    %gt3A_514 = arith.constant 3.100000e+01 : f32
    %gt3A_515 = vector.broadcast %gt3A_514 : f32 to vector<1x2048xf32>
    %gt3A_516 = arith.cmpf ogt, %get3A_13, %gt3A_515 : vector<1x2048xf32>
    %jit3A_517 = arith.constant -1.000000e+30 : f32
    %broadcast_in_dim3A_518 = vector.shape_cast %gt3A_516 : vector<1x2048xi1> to vector<1x2048xi1>
    %broadcast_in_dim3A_519 = vector.broadcast %broadcast_in_dim3A_518 : vector<1x2048xi1> to vector<64x2048xi1>
    %broadcast_in_dim3A_520 = vector.broadcast %jit3A_517 : f32 to vector<64x2048xf32>
    %select_n3A_521 = arith.select %broadcast_in_dim3A_519, %dot_general3A_513, %broadcast_in_dim3A_520 : vector<64x2048xi1>, vector<64x2048xf32>
    %max3A_522 = arith.maximumf %max3A_506, %select_n3A_521 : vector<64x2048xf32>
    %get3A_523 = arith.constant 1 : index
    %get3A_524 = arith.constant 0 : index
    %get3A_525 = vector.load %arg5[%get3A_523, %get3A_524] : memref<4x2048xf32, #tpu.memory_space<vmem>>, vector<1x2048xf32>
    %reduce_sum3A = arith.constant dense<0.000000e+00> : vector<2048xf32>
    %reduce_sum3A_526 = vector.multi_reduction <add>, %get3A_1, %reduce_sum3A [0] : vector<32x2048xf32> to vector<2048xf32>
    %broadcast_in_dim3A_527 = vector.shape_cast %reduce_sum3A_526 : vector<2048xf32> to vector<1x2048xf32>
    %reduce_sum3A_528 = arith.constant dense<0.000000e+00> : vector<2048xf32>
    %reduce_sum3A_529 = vector.multi_reduction <add>, %get3A_4, %reduce_sum3A_528 [0] : vector<32x2048xf32> to vector<2048xf32>
    %broadcast_in_dim3A_530 = vector.shape_cast %reduce_sum3A_529 : vector<2048xf32> to vector<1x2048xf32>
    %reduce_sum3A_531 = arith.constant dense<0.000000e+00> : vector<2048xf32>
    %reduce_sum3A_532 = vector.multi_reduction <add>, %get3A_7, %reduce_sum3A_531 [0] : vector<32x2048xf32> to vector<2048xf32>
    %broadcast_in_dim3A_533 = vector.shape_cast %reduce_sum3A_532 : vector<2048xf32> to vector<1x2048xf32>
    %mul3A = arith.mulf %broadcast_in_dim3A_527, %get3A_525 : vector<1x2048xf32>
    %mul3A_534 = arith.mulf %broadcast_in_dim3A_530, %get3A_525 : vector<1x2048xf32>
    %mul3A_535 = arith.mulf %broadcast_in_dim3A_533, %get3A_525 : vector<1x2048xf32>
    %get3A_536 = arith.constant 2 : index
    %get3A_537 = arith.constant 0 : index
    %get3A_538 = vector.load %arg5[%get3A_536, %get3A_537] : memref<4x2048xf32, #tpu.memory_space<vmem>>, vector<1x2048xf32>
    %get3A_539 = arith.constant 3 : index
    %get3A_540 = arith.constant 0 : index
    %get3A_541 = vector.load %arg5[%get3A_539, %get3A_540] : memref<4x2048xf32, #tpu.memory_space<vmem>>, vector<1x2048xf32>
    %concatenate3A_542 = tpu.concatenate %mul3A, %mul3A_534, %mul3A_535, %get3A_538, %get3A_541 in 0 : vector<1x2048xf32>, vector<1x2048xf32>, vector<1x2048xf32>, vector<1x2048xf32>, vector<1x2048xf32> -> vector<5x2048xf32>
    %get3A_543 = arith.constant 0 : index
    %get3A_544 = arith.constant 0 : index
    %get3A_545 = vector.load %arg7[%get3A_543, %get3A_544] : memref<64x5xf32, #tpu.memory_space<vmem>>, vector<64x5xf32>
    %dot_general3A_546 = arith.constant dense<0.000000e+00> : vector<64x2048xf32>
    %dot_general3A_547 = tpu.matmul %get3A_545, %concatenate3A_542, %dot_general3A_546 {dimension_numbers = #tpu.dot_dimension_numbers<[1], [0], [0], [1], [0, 0, 1, 1], [], []>, transpose_lhs_hint = false} : vector<64x5xf32>, vector<5x2048xf32>, vector<64x2048xf32> -> vector<64x2048xf32>
    %add3A = arith.addf %max3A_522, %dot_general3A_547 : vector<64x2048xf32>
    %lt3A = arith.constant 3.200000e+01 : f32
    %lt3A_548 = vector.broadcast %lt3A : f32 to vector<1x2048xf32>
    %lt3A_549 = arith.cmpf olt, %get3A_13, %lt3A_548 : vector<1x2048xf32>
    %max3A_550 = arith.constant 0.000000e+00 : f32
    %max3A_551 = vector.broadcast %max3A_550 : f32 to vector<64x2048xf32>
    %max3A_552 = arith.maximumf %add3A, %max3A_551 : vector<64x2048xf32>
    %broadcast_in_dim3A_553 = vector.shape_cast %lt3A_549 : vector<1x2048xi1> to vector<1x2048xi1>
    %broadcast_in_dim3A_554 = vector.broadcast %broadcast_in_dim3A_553 : vector<1x2048xi1> to vector<64x2048xi1>
    %select_n3A_555 = arith.select %broadcast_in_dim3A_554, %max3A_552, %add3A : vector<64x2048xi1>, vector<64x2048xf32>
    %get3A_556 = arith.constant 0 : index
    %get3A_557 = arith.constant 0 : index
    %get3A_558 = vector.load %arg8[%get3A_556, %get3A_557] : memref<64x2xf32, #tpu.memory_space<vmem>>, vector<64x1xf32>
    %mul3A_559 = vector.broadcast %get3A_558 : vector<64x1xf32> to vector<64x2048xf32>
    %mul3A_560 = arith.mulf %select_n3A_555, %mul3A_559 : vector<64x2048xf32>
    %get3A_561 = arith.constant 0 : index
    %get3A_562 = arith.constant 1 : index
    %get3A_563 = vector.load %arg8[%get3A_561, %get3A_562] : memref<64x2xf32, #tpu.memory_space<vmem>>, vector<64x1xf32>
    %add3A_564 = vector.broadcast %get3A_563 : vector<64x1xf32> to vector<64x2048xf32>
    %add3A_565 = arith.addf %mul3A_560, %add3A_564 : vector<64x2048xf32>
    %max3A_566 = arith.constant 0.000000e+00 : f32
    %max3A_567 = vector.broadcast %max3A_566 : f32 to vector<64x2048xf32>
    %max3A_568 = arith.maximumf %add3A_565, %max3A_567 : vector<64x2048xf32>
    %transpose3A = tpu.transpose %max3A_568, [1, 0] : vector<64x2048xf32> -> vector<2048x64xf32>
    %broadcast_in_dim3A_569 = arith.constant 0.000000e+00 : f32
    %broadcast_in_dim3A_570 = vector.broadcast %broadcast_in_dim3A_569 : f32 to vector<2048x64xf32>
    %concatenate3A_571 = tpu.concatenate %transpose3A, %broadcast_in_dim3A_570 in 1 : vector<2048x64xf32>, vector<2048x64xf32> -> vector<2048x128xf32>
    %swap3A = arith.constant 0 : index
    %swap3A_572 = arith.constant 0 : index
    %swap3A_573 = vector.load %arg9[%swap3A, %swap3A_572] : memref<2048x128xf32, #tpu.memory_space<vmem>>, vector<2048x128xf32>
    tpu.vector_store %arg9[%swap3A, %swap3A_572], %concatenate3A_571 {strides = array<i32>} : memref<2048x128xf32, #tpu.memory_space<vmem>>, vector<2048x128xf32>,
    return
  }
  func.func @transform_0(%arg0: i32) -> (i32, i32) {
    %c0_i32 = arith.constant 0 : i32
    %c0_i32_0 = arith.constant 0 : i32
    return %c0_i32, %arg0 : i32, i32
  }
  func.func @transform_1(%arg0: i32) -> (i32, i32) {
    %c0_i32 = arith.constant 0 : i32
    %c0_i32_0 = arith.constant 0 : i32
    return %c0_i32, %arg0 : i32, i32
  }
  func.func @transform_2(%arg0: i32) -> (i32, i32) {
    %c0_i32 = arith.constant 0 : i32
    %c0_i32_0 = arith.constant 0 : i32
    return %c0_i32, %arg0 : i32, i32
  }
  func.func @transform_3(%arg0: i32) -> (i32, i32) {
    %c0_i32 = arith.constant 0 : i32
    %c0_i32_0 = arith.constant 0 : i32
    return %c0_i32, %arg0 : i32, i32
  }
  func.func @transform_4(%arg0: i32) -> (i32, i32) {
    %c0_i32 = arith.constant 0 : i32
    %c0_i32_0 = arith.constant 0 : i32
    return %c0_i32, %arg0 : i32, i32
  }
  func.func @transform_5(%arg0: i32) -> (i32, i32) {
    %c0_i32 = arith.constant 0 : i32
    %c0_i32_0 = arith.constant 0 : i32
    %c0_i32_1 = arith.constant 0 : i32
    return %c0_i32, %c0_i32_0 : i32, i32
  }
  func.func @transform_6(%arg0: i32) -> (i32, i32) {
    %c0_i32 = arith.constant 0 : i32
    %c0_i32_0 = arith.constant 0 : i32
    %c0_i32_1 = arith.constant 0 : i32
    return %c0_i32, %c0_i32_0 : i32, i32
  }
  func.func @transform_7(%arg0: i32) -> (i32, i32) {
    %c0_i32 = arith.constant 0 : i32
    %c0_i32_0 = arith.constant 0 : i32
    %c0_i32_1 = arith.constant 0 : i32
    return %c0_i32, %c0_i32_0 : i32, i32
  }
  func.func @transform_8(%arg0: i32) -> (i32, i32) {
    %c0_i32 = arith.constant 0 : i32
    %c0_i32_0 = arith.constant 0 : i32
    return %arg0, %c0_i32 : i32, i32
  }
}

module attributes {stable_mosaic.version = 14 : i64} {
  func.func @_transpose_body(%arg0: i32, %arg1: i32, %arg2: memref<1x8x448x128xf32, #tpu.memory_space<vmem>>, %arg3: memref<1x64x8x433xf32, #tpu.memory_space<vmem>>) attributes {dimension_semantics = [#tpu.dimension_semantics<arbitrary>, #tpu.dimension_semantics<arbitrary>], iteration_bounds = array<i64: 4, 63>, scalar_prefetch = 0 : i64, scratch_operands = 0 : i64, tpu.core_type = #tpu.core_type<tc>, window_params = [{transform_indices = @transform_0, window_bounds = array<i64: 1, 8, 448, 128>}, {transform_indices = @transform_1, window_bounds = array<i64: 1, 64, 8, 433>}]} {
    %get3A = arith.constant 0 : index
    %get3A_0 = arith.constant 0 : index
    %get3A_1 = arith.constant 0 : index
    %get3A_2 = arith.constant 0 : index
    %get3A_3 = vector.load %arg2[%get3A, %get3A_0, %get3A_1, %get3A_2] : memref<1x8x448x128xf32, #tpu.memory_space<vmem>>, vector<1x1x448x128xf32>
    %get3A_4 = vector.shape_cast %get3A_3 : vector<1x1x448x128xf32> to vector<448x128xf32>
    %transpose3A = tpu.transpose %get3A_4, [1, 0] : vector<448x128xf32> -> vector<128x448xf32>
    %slice3A = vector.extract_strided_slice %transpose3A {offsets = [0, 0], sizes = [64, 433], strides = [1, 1]} : vector<128x448xf32> to vector<64x433xf32>
    %swap3A = arith.constant 0 : index
    %swap3A_5 = arith.constant 0 : index
    %swap3A_6 = arith.constant 0 : index
    %swap3A_7 = arith.constant 0 : index
    %swap3A_8 = vector.load %arg3[%swap3A, %swap3A_5, %swap3A_6, %swap3A_7] : memref<1x64x8x433xf32, #tpu.memory_space<vmem>>, vector<1x64x1x433xf32>
    %swap3A_9 = vector.shape_cast %swap3A_8 : vector<1x64x1x433xf32> to vector<64x433xf32>
    %swap3A_10 = vector.shape_cast %slice3A : vector<64x433xf32> to vector<1x64x1x433xf32>
    tpu.vector_store %arg3[%swap3A, %swap3A_5, %swap3A_6, %swap3A_7], %swap3A_10 {strides = array<i32>} : memref<1x64x8x433xf32, #tpu.memory_space<vmem>>, vector<1x64x1x433xf32>,
    %get3A_11 = arith.constant 0 : index
    %get3A_12 = arith.constant 1 : index
    %get3A_13 = arith.constant 0 : index
    %get3A_14 = arith.constant 0 : index
    %get3A_15 = vector.load %arg2[%get3A_11, %get3A_12, %get3A_13, %get3A_14] : memref<1x8x448x128xf32, #tpu.memory_space<vmem>>, vector<1x1x448x128xf32>
    %get3A_16 = vector.shape_cast %get3A_15 : vector<1x1x448x128xf32> to vector<448x128xf32>
    %transpose3A_17 = tpu.transpose %get3A_16, [1, 0] : vector<448x128xf32> -> vector<128x448xf32>
    %slice3A_18 = vector.extract_strided_slice %transpose3A_17 {offsets = [0, 0], sizes = [64, 433], strides = [1, 1]} : vector<128x448xf32> to vector<64x433xf32>
    %swap3A_19 = arith.constant 0 : index
    %swap3A_20 = arith.constant 0 : index
    %swap3A_21 = arith.constant 1 : index
    %swap3A_22 = arith.constant 0 : index
    %swap3A_23 = vector.load %arg3[%swap3A_19, %swap3A_20, %swap3A_21, %swap3A_22] : memref<1x64x8x433xf32, #tpu.memory_space<vmem>>, vector<1x64x1x433xf32>
    %swap3A_24 = vector.shape_cast %swap3A_23 : vector<1x64x1x433xf32> to vector<64x433xf32>
    %swap3A_25 = vector.shape_cast %slice3A_18 : vector<64x433xf32> to vector<1x64x1x433xf32>
    tpu.vector_store %arg3[%swap3A_19, %swap3A_20, %swap3A_21, %swap3A_22], %swap3A_25 {strides = array<i32>} : memref<1x64x8x433xf32, #tpu.memory_space<vmem>>, vector<1x64x1x433xf32>,
    %get3A_26 = arith.constant 0 : index
    %get3A_27 = arith.constant 2 : index
    %get3A_28 = arith.constant 0 : index
    %get3A_29 = arith.constant 0 : index
    %get3A_30 = vector.load %arg2[%get3A_26, %get3A_27, %get3A_28, %get3A_29] : memref<1x8x448x128xf32, #tpu.memory_space<vmem>>, vector<1x1x448x128xf32>
    %get3A_31 = vector.shape_cast %get3A_30 : vector<1x1x448x128xf32> to vector<448x128xf32>
    %transpose3A_32 = tpu.transpose %get3A_31, [1, 0] : vector<448x128xf32> -> vector<128x448xf32>
    %slice3A_33 = vector.extract_strided_slice %transpose3A_32 {offsets = [0, 0], sizes = [64, 433], strides = [1, 1]} : vector<128x448xf32> to vector<64x433xf32>
    %swap3A_34 = arith.constant 0 : index
    %swap3A_35 = arith.constant 0 : index
    %swap3A_36 = arith.constant 2 : index
    %swap3A_37 = arith.constant 0 : index
    %swap3A_38 = vector.load %arg3[%swap3A_34, %swap3A_35, %swap3A_36, %swap3A_37] : memref<1x64x8x433xf32, #tpu.memory_space<vmem>>, vector<1x64x1x433xf32>
    %swap3A_39 = vector.shape_cast %swap3A_38 : vector<1x64x1x433xf32> to vector<64x433xf32>
    %swap3A_40 = vector.shape_cast %slice3A_33 : vector<64x433xf32> to vector<1x64x1x433xf32>
    tpu.vector_store %arg3[%swap3A_34, %swap3A_35, %swap3A_36, %swap3A_37], %swap3A_40 {strides = array<i32>} : memref<1x64x8x433xf32, #tpu.memory_space<vmem>>, vector<1x64x1x433xf32>,
    %get3A_41 = arith.constant 0 : index
    %get3A_42 = arith.constant 3 : index
    %get3A_43 = arith.constant 0 : index
    %get3A_44 = arith.constant 0 : index
    %get3A_45 = vector.load %arg2[%get3A_41, %get3A_42, %get3A_43, %get3A_44] : memref<1x8x448x128xf32, #tpu.memory_space<vmem>>, vector<1x1x448x128xf32>
    %get3A_46 = vector.shape_cast %get3A_45 : vector<1x1x448x128xf32> to vector<448x128xf32>
    %transpose3A_47 = tpu.transpose %get3A_46, [1, 0] : vector<448x128xf32> -> vector<128x448xf32>
    %slice3A_48 = vector.extract_strided_slice %transpose3A_47 {offsets = [0, 0], sizes = [64, 433], strides = [1, 1]} : vector<128x448xf32> to vector<64x433xf32>
    %swap3A_49 = arith.constant 0 : index
    %swap3A_50 = arith.constant 0 : index
    %swap3A_51 = arith.constant 3 : index
    %swap3A_52 = arith.constant 0 : index
    %swap3A_53 = vector.load %arg3[%swap3A_49, %swap3A_50, %swap3A_51, %swap3A_52] : memref<1x64x8x433xf32, #tpu.memory_space<vmem>>, vector<1x64x1x433xf32>
    %swap3A_54 = vector.shape_cast %swap3A_53 : vector<1x64x1x433xf32> to vector<64x433xf32>
    %swap3A_55 = vector.shape_cast %slice3A_48 : vector<64x433xf32> to vector<1x64x1x433xf32>
    tpu.vector_store %arg3[%swap3A_49, %swap3A_50, %swap3A_51, %swap3A_52], %swap3A_55 {strides = array<i32>} : memref<1x64x8x433xf32, #tpu.memory_space<vmem>>, vector<1x64x1x433xf32>,
    %get3A_56 = arith.constant 0 : index
    %get3A_57 = arith.constant 4 : index
    %get3A_58 = arith.constant 0 : index
    %get3A_59 = arith.constant 0 : index
    %get3A_60 = vector.load %arg2[%get3A_56, %get3A_57, %get3A_58, %get3A_59] : memref<1x8x448x128xf32, #tpu.memory_space<vmem>>, vector<1x1x448x128xf32>
    %get3A_61 = vector.shape_cast %get3A_60 : vector<1x1x448x128xf32> to vector<448x128xf32>
    %transpose3A_62 = tpu.transpose %get3A_61, [1, 0] : vector<448x128xf32> -> vector<128x448xf32>
    %slice3A_63 = vector.extract_strided_slice %transpose3A_62 {offsets = [0, 0], sizes = [64, 433], strides = [1, 1]} : vector<128x448xf32> to vector<64x433xf32>
    %swap3A_64 = arith.constant 0 : index
    %swap3A_65 = arith.constant 0 : index
    %swap3A_66 = arith.constant 4 : index
    %swap3A_67 = arith.constant 0 : index
    %swap3A_68 = vector.load %arg3[%swap3A_64, %swap3A_65, %swap3A_66, %swap3A_67] : memref<1x64x8x433xf32, #tpu.memory_space<vmem>>, vector<1x64x1x433xf32>
    %swap3A_69 = vector.shape_cast %swap3A_68 : vector<1x64x1x433xf32> to vector<64x433xf32>
    %swap3A_70 = vector.shape_cast %slice3A_63 : vector<64x433xf32> to vector<1x64x1x433xf32>
    tpu.vector_store %arg3[%swap3A_64, %swap3A_65, %swap3A_66, %swap3A_67], %swap3A_70 {strides = array<i32>} : memref<1x64x8x433xf32, #tpu.memory_space<vmem>>, vector<1x64x1x433xf32>,
    %get3A_71 = arith.constant 0 : index
    %get3A_72 = arith.constant 5 : index
    %get3A_73 = arith.constant 0 : index
    %get3A_74 = arith.constant 0 : index
    %get3A_75 = vector.load %arg2[%get3A_71, %get3A_72, %get3A_73, %get3A_74] : memref<1x8x448x128xf32, #tpu.memory_space<vmem>>, vector<1x1x448x128xf32>
    %get3A_76 = vector.shape_cast %get3A_75 : vector<1x1x448x128xf32> to vector<448x128xf32>
    %transpose3A_77 = tpu.transpose %get3A_76, [1, 0] : vector<448x128xf32> -> vector<128x448xf32>
    %slice3A_78 = vector.extract_strided_slice %transpose3A_77 {offsets = [0, 0], sizes = [64, 433], strides = [1, 1]} : vector<128x448xf32> to vector<64x433xf32>
    %swap3A_79 = arith.constant 0 : index
    %swap3A_80 = arith.constant 0 : index
    %swap3A_81 = arith.constant 5 : index
    %swap3A_82 = arith.constant 0 : index
    %swap3A_83 = vector.load %arg3[%swap3A_79, %swap3A_80, %swap3A_81, %swap3A_82] : memref<1x64x8x433xf32, #tpu.memory_space<vmem>>, vector<1x64x1x433xf32>
    %swap3A_84 = vector.shape_cast %swap3A_83 : vector<1x64x1x433xf32> to vector<64x433xf32>
    %swap3A_85 = vector.shape_cast %slice3A_78 : vector<64x433xf32> to vector<1x64x1x433xf32>
    tpu.vector_store %arg3[%swap3A_79, %swap3A_80, %swap3A_81, %swap3A_82], %swap3A_85 {strides = array<i32>} : memref<1x64x8x433xf32, #tpu.memory_space<vmem>>, vector<1x64x1x433xf32>,
    %get3A_86 = arith.constant 0 : index
    %get3A_87 = arith.constant 6 : index
    %get3A_88 = arith.constant 0 : index
    %get3A_89 = arith.constant 0 : index
    %get3A_90 = vector.load %arg2[%get3A_86, %get3A_87, %get3A_88, %get3A_89] : memref<1x8x448x128xf32, #tpu.memory_space<vmem>>, vector<1x1x448x128xf32>
    %get3A_91 = vector.shape_cast %get3A_90 : vector<1x1x448x128xf32> to vector<448x128xf32>
    %transpose3A_92 = tpu.transpose %get3A_91, [1, 0] : vector<448x128xf32> -> vector<128x448xf32>
    %slice3A_93 = vector.extract_strided_slice %transpose3A_92 {offsets = [0, 0], sizes = [64, 433], strides = [1, 1]} : vector<128x448xf32> to vector<64x433xf32>
    %swap3A_94 = arith.constant 0 : index
    %swap3A_95 = arith.constant 0 : index
    %swap3A_96 = arith.constant 6 : index
    %swap3A_97 = arith.constant 0 : index
    %swap3A_98 = vector.load %arg3[%swap3A_94, %swap3A_95, %swap3A_96, %swap3A_97] : memref<1x64x8x433xf32, #tpu.memory_space<vmem>>, vector<1x64x1x433xf32>
    %swap3A_99 = vector.shape_cast %swap3A_98 : vector<1x64x1x433xf32> to vector<64x433xf32>
    %swap3A_100 = vector.shape_cast %slice3A_93 : vector<64x433xf32> to vector<1x64x1x433xf32>
    tpu.vector_store %arg3[%swap3A_94, %swap3A_95, %swap3A_96, %swap3A_97], %swap3A_100 {strides = array<i32>} : memref<1x64x8x433xf32, #tpu.memory_space<vmem>>, vector<1x64x1x433xf32>,
    %get3A_101 = arith.constant 0 : index
    %get3A_102 = arith.constant 7 : index
    %get3A_103 = arith.constant 0 : index
    %get3A_104 = arith.constant 0 : index
    %get3A_105 = vector.load %arg2[%get3A_101, %get3A_102, %get3A_103, %get3A_104] : memref<1x8x448x128xf32, #tpu.memory_space<vmem>>, vector<1x1x448x128xf32>
    %get3A_106 = vector.shape_cast %get3A_105 : vector<1x1x448x128xf32> to vector<448x128xf32>
    %transpose3A_107 = tpu.transpose %get3A_106, [1, 0] : vector<448x128xf32> -> vector<128x448xf32>
    %slice3A_108 = vector.extract_strided_slice %transpose3A_107 {offsets = [0, 0], sizes = [64, 433], strides = [1, 1]} : vector<128x448xf32> to vector<64x433xf32>
    %swap3A_109 = arith.constant 0 : index
    %swap3A_110 = arith.constant 0 : index
    %swap3A_111 = arith.constant 7 : index
    %swap3A_112 = arith.constant 0 : index
    %swap3A_113 = vector.load %arg3[%swap3A_109, %swap3A_110, %swap3A_111, %swap3A_112] : memref<1x64x8x433xf32, #tpu.memory_space<vmem>>, vector<1x64x1x433xf32>
    %swap3A_114 = vector.shape_cast %swap3A_113 : vector<1x64x1x433xf32> to vector<64x433xf32>
    %swap3A_115 = vector.shape_cast %slice3A_108 : vector<64x433xf32> to vector<1x64x1x433xf32>
    tpu.vector_store %arg3[%swap3A_109, %swap3A_110, %swap3A_111, %swap3A_112], %swap3A_115 {strides = array<i32>} : memref<1x64x8x433xf32, #tpu.memory_space<vmem>>, vector<1x64x1x433xf32>,
    return
  }
  func.func @transform_0(%arg0: i32, %arg1: i32) -> (i32, i32, i32, i32) {
    %c0_i32 = arith.constant 0 : i32
    %c0_i32_0 = arith.constant 0 : i32
    %c0_i32_1 = arith.constant 0 : i32
    return %arg0, %arg1, %c0_i32, %c0_i32_0 : i32, i32, i32, i32
  }
  func.func @transform_1(%arg0: i32, %arg1: i32) -> (i32, i32, i32, i32) {
    %c0_i32 = arith.constant 0 : i32
    %c0_i32_0 = arith.constant 0 : i32
    %c0_i32_1 = arith.constant 0 : i32
    return %arg0, %c0_i32, %arg1, %c0_i32_0 : i32, i32, i32, i32
  }
}

</mosaic_0001>

<sc_bundles>
// kernel: kernel.5.cloned.1.call-start
scs
__scs_entry_jumppad:
0x0: {  	(pc) =	sbr.rel $0x88, $3  }
0x1: {  	(tag) =	ssettag $0x0;
	lr =	simm.s32 $0x1  }
0x2: {  	[smem:$0x3F99] =	sst lr;
	_ =	strace $0xD0000000  }
0x3: {  	_ = 	snop  }
0x4: {  	_ = 	snop  }
0x5: {  	_ = 	snop  }
0x6: {  	_ = 	snop  }
0x7: {  	_ = 	snop  }
__scs_overlays_trampoline_lowered:
0x8: {  	[smem:$0x3FA8] =	sst s0  }
0x9: {  	[smem:$0x3FA9] =	sst s1  }
0xa: {  	[smem:$0x3FAA] =	sst s2  }
0xb: {  	[smem:$0x3FAB] =	sst s3  }
0xc: {  	[smem:$0x3FAC] =	sst s4  }
0xd: {  	[smem:$0x3FAD] =	sst s5  }
0xe: {  	[smem:$0x3FAE] =	sst s6  }
0xf: {  	[smem:$0x3FAF] =	sst s7  }
0x10: {  	[smem:$0x3FB0] =	sst s8  }
0x11: {  	[smem:$0x3FB1] =	sst s9;
	s0 =	simm.s32 @!p0 $0x0  }
0x12: {  	s1 =	sld [smem:$0x3F97];
	s0 =	simm.s32 @p0 $0x1  }
0x13: {  	[smem:$0x3FB2] =	sst s0;
	s0 =	simm.s32 @!p1 $0x0  }
0x14: {  	s2 =	sld [smem:$0x3F96];
	s0 =	simm.s32 @p1 $0x1  }
0x15: {  	[smem:$0x3FB3] =	sst s0;
	s0 =	simm.s32 @!p2 $0x0  }
0x16: {  	s3 =	sld [smem:$0x3FDB];
	s0 =	simm.s32 @p2 $0x1  }
0x17: {  	s4 =	simm.s32 $0x1BF5;
	[smem:$0x3FB5] =	sst s0  }
0x18: {  	s0 =	sld [smem:$0x3F98];
	_ =	swait.ge [sflag:s4], $0x0  }
0x19: {  	s7 =	sld [smem:$0x3F99]  }
0x1a: {  	s8 =	sadd.s32 $0xFFFFE003, lr  }
0x1b: {  	s9 =	sadd.s32 $0xFFFFFEF7, lr;
	s5 =	simm.s32 $0xFFFFFFFF;
	p2 =	slt.u32 s8, $0xFFFFF086  }
0x1c: {  	p1 =	slt.u32 s9, $0xF7A;
	s5 =	simm.s32 @!p2 $0x0  }
0x1d: {  	s5 =	simm.s32 @p1 $0x1;
	p0 =	seq.s32 s7, s2  }
0x1e: {  	s7 =	smul.u32 @!p0 $0xF7A, s2;
	p2 =	seq.s32 @!p0 s5, $0x0  }
0x1f: {  	s9 =	smul.u32 $0xF7A, s1;
	s8 =	simm.s32 @!p0 $0x1BF5;
	p2 =	por !p2, p0  }
0x20: {  	[sflag:s8] =	ssyncset.s32 @!p0 $0xFFFFF086;
	s6 =	sadd.s32 @!p0 s3, s7;
	s7 =	simm.s32 @!p0 $0x108  }
0x21: {  	s3 =	sadd.s32 s3, s9;
	s6 =	sadd.s32 @!p0 $0x88, s6;
	s7 =	simm.s32 @p2 $0x1082  }
0x22: {  	[simem:s7], [sflag:s8] =	dma.local @!p0 [hbm:s6], $0xF7A  }
0x23: {  	s9 =	sor.u32 $0xD0000000, s2;
	s6 =	simm.s32 $0x108;
	_ =	swait.ge @!p0 [sflag:s8], $0x0  }
0x24: {  	s3 =	sadd.s32 $0x88, s3;
	s6 =	simm.s32 @!p1 $0x1082;
	[sflag:s4] =	ssyncset.s32 $0xFFFFF086  }
0x25: {  	[simem:s6], [sflag:s4] =	dma.local [hbm:s3], $0xF7A  }
0x26: {  	[smem:$0x3F99] =	sst s1;
	(tag) =	ssettag s2;
	_ =	strace s9  }
0x27: {  	s1 =	sld [smem:$0x3FA9]  }
0x28: {  	s2 =	sld [smem:$0x3FAA]  }
0x29: {  	s4 =	sld [smem:$0x3FAC]  }
0x2a: {  	p0 =	seq.s32 s5, $0x0;
	s5 =	sld [smem:$0x3FAD]  }
0x2b: {  	s6 =	sld [smem:$0x3FAE]  }
0x2c: {  	s7 =	sld [smem:$0x3FAF]  }
0x2d: {  	s3 =	simm.s32 $0x108;
	s8 =	sld [smem:$0x3FB0]  }
0x2e: {  	s3 =	simm.s32 @!p0 $0x1082;
	s9 =	sld [smem:$0x3FB1]  }
0x2f: {  	lr =	sadd.s32 s0, s3;
	s0 =	sld [smem:$0x3FA8]  }
0x30: {  	s3 =	sld [smem:$0x3FAB]  }
0x31: {  	[smem:$0x3FB4] =	sst s10  }
0x32: {  	s10 =	sld [smem:$0x3FB2];
	_ =	sdelay $0x3  }
0x33: {  	p0 =	seq.s32 s10, $0x1;
	s10 =	sld [smem:$0x3FB4];
	_ =	sdelay $0x3  }
0x34: {  	[smem:$0x3FB4] =	sst s10  }
0x35: {  	s10 =	sld [smem:$0x3FB3];
	_ =	sdelay $0x3  }
0x36: {  	p1 =	seq.s32 s10, $0x1;
	s10 =	sld [smem:$0x3FB4];
	_ =	sdelay $0x3  }
0x37: {  	[smem:$0x3FB4] =	sst s10  }
0x38: {  	s10 =	sld [smem:$0x3FB5]  }
0x39: {  	_ = 	snop;
	(pc) =	sbr.ind lr, $3  }
0x3a: {  	_ = 	snop  }
0x3b: {  	_ = 	snop  }
0x3c: {  	p2 =	seq.s32 s10, $0x1;
	s10 =	sld [smem:$0x3FB4]  }
0x3d: {  	_ =	shalt  }
0x3e: {  	_ =	shalt  }
0x3f: {  	_ =	shalt  }
0x40: {  	_ =	shalt  }
0x41: {  	_ =	shalt  }
0x42: {  	_ =	shalt  }
0x43: {  	_ =	shalt  }
0x44: {  	_ =	shalt  }
0x45: {  	_ =	shalt  }
0x46: {  	_ =	shalt  }
0x47: {  	_ =	shalt  }
0x48: {  	_ =	shalt  }
0x49: {  	_ =	shalt  }
0x4a: {  	_ =	shalt  }
0x4b: {  	_ =	shalt  }
0x4c: {  	_ =	shalt  }
0x4d: {  	_ =	shalt  }
0x4e: {  	_ =	shalt  }
0x4f: {  	_ =	shalt  }
0x50: {  	_ =	shalt  }
0x51: {  	_ =	shalt  }
0x52: {  	_ =	shalt  }
0x53: {  	_ =	shalt  }
0x54: {  	_ =	shalt  }
0x55: {  	_ =	shalt  }
0x56: {  	_ =	shalt  }
0x57: {  	_ =	shalt  }
0x58: {  	_ =	shalt  }
0x59: {  	_ =	shalt  }
0x5a: {  	_ =	shalt  }
0x5b: {  	_ =	shalt  }
0x5c: {  	_ =	shalt  }
0x5d: {  	_ =	shalt  }
0x5e: {  	_ =	shalt  }
0x5f: {  	_ =	shalt  }
0x60: {  	_ =	shalt  }
0x61: {  	_ =	shalt  }
0x62: {  	_ =	shalt  }
0x63: {  	_ =	shalt  }
0x64: {  	_ =	shalt  }
0x65: {  	_ =	shalt  }
0x66: {  	_ =	shalt  }
0x67: {  	_ =	shalt  }
0x68: {  	_ =	shalt  }
0x69: {  	_ =	shalt  }
0x6a: {  	_ =	shalt  }
0x6b: {  	_ =	shalt  }
0x6c: {  	_ =	shalt  }
0x6d: {  	_ =	shalt  }
0x6e: {  	_ =	shalt  }
0x6f: {  	_ =	shalt  }
0x70: {  	_ =	shalt  }
0x71: {  	_ =	shalt  }
0x72: {  	_ =	shalt  }
0x73: {  	_ =	shalt  }
0x74: {  	_ =	shalt  }
0x75: {  	_ =	shalt  }
0x76: {  	_ =	shalt  }
0x77: {  	_ =	shalt  }
0x78: {  	_ =	shalt  }
0x79: {  	_ =	shalt  }
0x7a: {  	_ =	shalt  }
0x7b: {  	_ =	shalt  }
0x7c: {  	_ =	shalt  }
0x7d: {  	_ =	shalt  }
0x7e: {  	_ =	shalt  }
0x7f: {  	_ =	shalt  }
0x80: {  	_ =	shalt  }
0x81: {  	_ =	shalt  }
0x82: {  	_ =	shalt  }
0x83: {  	_ =	shalt  }
0x84: {  	_ =	shalt  }
0x85: {  	_ =	shalt  }
0x86: {  	_ =	shalt  }
0x87: {  	_ =	shalt  }
.Lfunc_end0:
.L_simem_size_0:
called_computation_lowered:
.L_overlay_start_0:
0x88: {  	s2 =	sld [smem:$0x3FD9]  }
0x89: {  	s3 =	sld [smem:$0x3FFE];
	_ =	sdelay $0x1  }
0x8a: {  	s1 =	srdreg.scid  }
0x8b: {  	s0 =	sand.u32 $0x1, s1  }
0x8c: {  	s17 =	sshll.u32 s0, $0xA;
	s2 =	sadd.s32 s3, s2  }
0x8d: {  	s2 =	sadd.s32 s2, s17  }
0x8e: {  	[smem:$0x3FC0] =	sst s2  }
0x8f: {  	_ = 	snop  }
0x90: {  	s2 =	sld [smem:$0x3FD0];
	(tm) =	ssettm $0x1  }
0x91: {  	s18 =	sld [smem:$0x3FFB];
	_ =	sdelay $0x3  }
0x92: {  	_ =	strace s18  }
0x93: {  	s3 =	sld [smem:$0x3FFC];
	_ =	sdelay $0x3  }
0x94: {  	_ =	strace s3  }
0x95: {  	s3 =	sld [smem:$0x3FFD];
	_ =	sdelay $0x3  }
0x96: {  	_ =	strace s3  }
0x97: {  	_ =	strace $0x8FFFFFFF  }
0x98: {  	s19 =	sld [smem:$0x3FDB];
	_ =	sdelay $0x1  }
0x99: {  	s4 =	simm.s32 $_scs_section_size  }
0x9a: {  	s5 =	simm.s32 $_size__tile_overlayer_lowered;
	s6 =	simm.s32 $_tile_overlayer_lowered  }
0x9b: {  	s22 =	simm.s32 $0x1BFF;
	s21 =	sshll.u32 s6, $0x1;
	s3 =	sadd.s32 s4, s19  }
0x9c: {  	s7 =	simm.s32 $0x0;
	s20 =	sshll.u32 s5, $0x1;
	s5 =	sadd.s32 s21, s3  }
0x9d: {  	[timem:s7], [sflag:s22] =	dma.local [hbm:s5], s20  }
0x9e: {  	_ =	swait.ge [sflag:s22], s20  }
0x9f: {  	s4 =	ssub.s32 $0x0, s20;
	[sflag:s22] =	ssyncset.done $0x0  }
0xa0: {  	[sflag:s22] =	ssyncadd.s32 s4;
	_ =	sdelay $0x1  }
0xa1: {  	s23 =	simm.s32 $0x1B8B  }
0xa2: {  	_ =	swait.ge [sflag:s23], $0x1  }
0xa3: {  	[sflag:s23] =	ssyncset.done $0x0  }
0xa4: {  	s25 =	simm.s32 $0x1B8E;
	s24 =	sld [smem:$0x3FFE];
	[sflag:s23] =	ssyncadd.s32 $0xFFFFFFFF  }
0xa5: {  	s26 =	simm.s32 $execute0_lowered;
	[smem:$0x3FD2] =	sst s25  }
0xa6: {  	s5 =	sshll.u32 s26, $0x1;
	_ =	strace $0x80000046;
	[dreg:$0x1] =	wrdreg $0xFFFFFFFF  }
0xa7: {  	s28 =	simm.s32 $_size_execute0_lowered;
	s3 =	sadd.s32 s3, s5;
	[dreg:$0x0] =	wrdreg $0x0  }
0xa8: {  	s5 =	sshll.u32 s28, $0x1;
	[dreg:$0x2] =	wrdreg s3  }
0xa9: {  	[dreg:$0x3] =	wrdreg s5  }
0xaa: {  	[dreg:$0x4] =	wrdreg $0xC0  }
0xab: {  	_ =	task [dreg:s7], $0x5FFFF  }
0xac: {  	[dreg:$0x1] =	wrdreg $0xFFFFFFFF  }
0xad: {  	[dreg:$0x0] =	wrdreg $0x60  }
0xae: {  	[dreg:$0x2] =	wrdreg s2  }
0xaf: {  	[dreg:$0x3] =	wrdreg s24  }
0xb0: {  	[dreg:$0x4] =	wrdreg $0x9  }
0xb1: {  	_ =	task.clear_ibuf [dreg:s7], $0x5FFFF;
	_ =	strace $0x90000046  }
0xb2: {  	s29 =	simm.s32 $0x9;
	_ =	strace $0x80000048  }
0xb3: {  	_ =	swait.ge [sflag:s29], $0x1  }
0xb4: {  	[sflag:s29] =	ssyncadd.s32 $0xFFFFFFFF  }
0xb5: {  	_ =	strace $0x90000048  }
0xb6: {  	_ =	sfence  }
0xb7: {  	s30 =	sld [smem:$0x0];
	_ =	sdelay $0x2  }
0xb8: {  	s31 =	sshll.u32 s1, $0xD;
	s1 =	sshrl.u32 s1, $0x2  }
0xb9: {  	s3 =	sand.u32 $0x4000, s31;
	s1 =	sadd.s32 s1, s30  }
0xba: {  	s0 =	sor.u32 s3, s0;
	s1 =	sshll.u32 s1, $0x11  }
0xbb: {  	s0 =	sor.u32 s1, s0  }
0xbc: {  	s0 =	sadd.s32 $0x8F2B, s0  }
0xbd: {  	[sflag:s0] =	ssyncadd.remote.s32 $0x1  }
0xbe: {  	_ =	sfence.sel $0xFFFF  }
0xbf: {  	[dreg:$0x0] =	wrdreg $0xFFFFFFFF;
	(pc) =	sbr.abs _section_cstart, $3  }
0xc0: {  	[dreg:$0x1] =	wrdreg $0xFFFFFFFF  }
0xc1: {  	_ =	task.clear_ibuf [dreg:s7], $0x2FFFF;
	_ =	strace $0x9FFFFFFF  }
0xc2: {  	(tm) =	ssettm $0x7FFFFFFF  }
0xc3: {  	_ =	shalt  }
tec
execute0_lowered:
.L_overlay_start_1:
0x0: {  	(tag) =	ssettag $0x1  }
0x1: {  	s0 =	rddreg [dreg:$0x0];
	s1 =	srdreg.scid  }
0x2: {  	s4 =	rddreg [dreg:$0x1];
	s16 =	stileid.u32  }
0x3: {  	s2 =	simm.s32 $0x0;
	s19 =	simm.s32 $0x4800;
	s20 =	simm.s32 $0x1  }
0x4: {  	s21 =	simm.s32 $0x4000;
	s22 =	simm.s32 $0x80;
	s28 =	simm.s32 $0x4280  }
0x5: {  	s29 =	simm.s32 $0x4300;
	s30 =	simm.s32 $0x4380;
	s7 =	smul.u32 $0x6CB8, s16  }
0x6: {  	s31 =	simm.s32 $0x4400;
	s1 =	sand.u32 $0x1, s1;
	s18 =	smul.u32 $0x6CB80, s16  }
0x7: {  	[smem:$0x7FF] =	sst s2;
	s3 =	sshll.u32 s1, $0x4;
	s6 =	smul.u32 $0x6CB80, s1  }
0x8: {  	s9 =	ssub.s32 $0x2, s1;
	s1 =	smul.u32 $0x6CB800, s1;
	s5 =	sor.u32 s16, s3  }
0x9: {  	_ =	strace $0x80000047;
	s10 =	sshrl.u32 s9, $0x1;
	s23 =	smul.u32 $0x5000, s5  }
0xa: {  	s3 =	sshll.u32 s5, $0x8;
	s6 =	sadd.s32 s7, s6;
	s11 =	smul.u32 $0x28000, s5  }
0xb: {  	s17 =	ssub.s32 s9, s10;
	s8 =	sadd.s32 s3, s4;
	s3 =	sadd.s32 $0x4400, s4  }
0xc: {  	s6 =	sshll.u32 s6, $0x4;
	s4 =	sadd.s32 $0x3400, s4;
	s17 =	smax.u32 s17, $0x1  }
0xd: {  	s24 =	sadd.s32 s6, s3;
	s6 =	sadd.s32 s0, s23;
	s25 =	sshrl.u32 s11, $0x3  }
0xe: {  	s7 =	sadd.s32 $0x1400, s8;
	s26 =	sadd.s32 s1, s3;
	s1 =	simm.s32 $0x0  }
0xf: {  	s5 =	sadd.s32 $0x6C000, s24;
	s8 =	sadd.s32 $0x800, s6;
	s0 =	sadd.s32 s0, s25  }
0x10: {  	s18 =	sadd.s32 s18, s26;
	s25 =	simm.s32 $0x4180;
	s26 =	simm.s32 $0x4200  }
0x11: {  	s9 =	sadd.s32 $0x1000, s0;
	s10 =	sadd.s32 $0x1800, s0;
	s11 =	sadd.s32 $0x2000, s0  }
0x12: {  	s12 =	sadd.s32 $0x2800, s0;
	s13 =	sadd.s32 $0x3000, s0;
	s14 =	sadd.s32 $0x3800, s0  }
0x13: {  	s15 =	sadd.s32 $0x4000, s0;
	s16 =	sadd.s32 $0x4800, s0;
	s0 =	simm.s32 $0x4480  }
.LBB2_1:
0x14: {  	[tilespmem:s19], [sflag:$0x1] =	stream.linear.gather [hbm4b:s4+s2], $0x8000, $0x38;
	[tilespmem:$0xC800] =	vst v63  }
0x15: {  	_ =	swait.ge [sflag:s20], $0x8000  }
0x16: {  	[sflag:s20] =	ssyncset.done $0x0  }
0x17: {  	s23 =	sadd.s32 $0x0, s18;
	[sflag:s20] =	ssyncadd.s32 $0xFFFF8000  }
0x18: {  	[hbm4b:s23+s2] =	stream.linear.scatter [tilespmem:s19], [sflag:$0x1], $0x8000, $0x38;
	[tilespmem:$0xC800] =	vst v63  }
0x19: {  	_ =	swait.ge [sflag:s20], $0x8000  }
0x1a: {  	s23 =	simm.s32 $0x1000;
	[sflag:s20] =	ssyncset.done $0x0  }
.LBB2_2:
0x1b: {  	s24 =	sadd.s32 s23, s18;
	[sflag:s20] =	ssyncadd.s32 $0xFFFF8000;
	p0 =	sne.s32 s23, $0x6B000  }
0x1c: {  	[hbm4b:s24+s2] =	stream.linear.scatter [tilespmem:s19], [sflag:$0x1], $0x8000, $0x38;
	[tilespmem:$0xC800] =	vst v63  }
.Ltmp0:
0x1d: {  	_ = 	snop;
	(pc) =	sbr.rel @p0 .LBB2_2-.Ltmp0, $4  }
0x1e: {  	_ = 	snop  }
0x1f: {  	s23 =	sadd.s32 $0x1000, s23  }
0x20: {  	_ =	swait.ge [sflag:s20], $0x8000  }
0x21: {  	[sflag:s20] =	ssyncset.done $0x0  }
0x22: {  	[sflag:s20] =	ssyncadd.s32 $0xFFFF8000  }
0x23: {  	[hbm4b:s5+s2] =	stream.linear.scatter [tilespmem:s19], [sflag:$0x1], $0x5C00, $0x38;
	[tilespmem:$0xC800] =	vst v63  }
0x24: {  	_ =	swait.ge [sflag:s20], $0x5C00  }
0x25: {  	[sflag:s20] =	ssyncset.done $0x0  }
0x26: {  	[sflag:s20] =	ssyncadd.s32 $0xFFFFA400  }
0x27: {  	[bflag:$0x0] =	sbarrier.arrive $0xFFFF  }
0x28: {  	[tilespmem:s21], [sflag:$0x1] =	stream.linear.gather [hbm4b:s7+s2], $0x500, $0x38;
	[tilespmem:$0xC800] =	vst v63  }
0x29: {  	_ =	swait.ge [sflag:s20], $0x500  }
0x2a: {  	[sflag:s20] =	ssyncset.done $0x0  }
0x2b: {  	[sflag:s20] =	ssyncadd.s32 $0xFFFFFB00  }
0x2c: {  	[tilespmem:s2], [sflag:$0x1] =	stream.linear.gather [hbm4b:s6+s2], $0x4000, $0x38;
	[tilespmem:$0xC800] =	vst v63  }
0x2d: {  	_ =	swait.ge [sflag:s20], $0x4000  }
0x2e: {  	[sflag:s20] =	ssyncset.done $0x0  }
0x2f: {  	[sflag:s20] =	ssyncadd.s32 $0xFFFFC000  }
0x30: {  	[hbm4b:s3+s22] =	stream.indirect.scatter [tilespmem:s2], [sflag:$0x1], $0x80, s21, s22, $0xb8;
	[tilespmem:$0xC800] =	vst v63  }
0x31: {  	_ =	swait.ge [sflag:s20], $0x4000  }
0x32: {  	[sflag:s20] =	ssyncset.done $0x0  }
0x33: {  	[sflag:s20] =	ssyncadd.s32 $0xFFFFC000  }
0x34: {  	[tilespmem:s2], [sflag:$0x1] =	stream.linear.gather [hbm4b:s8+s2], $0x4000, $0x38;
	[tilespmem:$0xC800] =	vst v63  }
0x35: {  	_ =	swait.ge [sflag:s20], $0x4000  }
0x36: {  	[sflag:s20] =	ssyncset.done $0x0  }
0x37: {  	s23 =	simm.s32 $0x4080;
	[sflag:s20] =	ssyncadd.s32 $0xFFFFC000  }
0x38: {  	[hbm4b:s3+s22] =	stream.indirect.scatter [tilespmem:s2], [sflag:$0x1], $0x80, s23, s22, $0xb8;
	[tilespmem:$0xC800] =	vst v63  }
0x39: {  	_ =	swait.ge [sflag:s20], $0x4000  }
0x3a: {  	[sflag:s20] =	ssyncset.done $0x0  }
0x3b: {  	[sflag:s20] =	ssyncadd.s32 $0xFFFFC000  }
0x3c: {  	[tilespmem:s2], [sflag:$0x1] =	stream.linear.gather [hbm4b:s9+s2], $0x4000, $0x38;
	[tilespmem:$0xC800] =	vst v63  }
0x3d: {  	_ =	swait.ge [sflag:s20], $0x4000  }
0x3e: {  	[sflag:s20] =	ssyncset.done $0x0  }
0x3f: {  	s24 =	simm.s32 $0x4100;
	[sflag:s20] =	ssyncadd.s32 $0xFFFFC000  }
0x40: {  	[hbm4b:s3+s22] =	stream.indirect.scatter [tilespmem:s2], [sflag:$0x1], $0x80, s24, s22, $0xb8;
	[tilespmem:$0xC800] =	vst v63  }
0x41: {  	_ =	swait.ge [sflag:s20], $0x4000  }
0x42: {  	[sflag:s20] =	ssyncset.done $0x0  }
0x43: {  	[sflag:s20] =	ssyncadd.s32 $0xFFFFC000  }
0x44: {  	[tilespmem:s2], [sflag:$0x1] =	stream.linear.gather [hbm4b:s10+s2], $0x4000, $0x38;
	[tilespmem:$0xC800] =	vst v63  }
0x45: {  	_ =	swait.ge [sflag:s20], $0x4000  }
0x46: {  	[sflag:s20] =	ssyncset.done $0x0  }
0x47: {  	[sflag:s20] =	ssyncadd.s32 $0xFFFFC000  }
0x48: {  	[hbm4b:s3+s22] =	stream.indirect.scatter [tilespmem:s2], [sflag:$0x1], $0x80, s25, s22, $0xb8;
	[tilespmem:$0xC800] =	vst v63  }
0x49: {  	_ =	swait.ge [sflag:s20], $0x4000  }
0x4a: {  	[sflag:s20] =	ssyncset.done $0x0  }
0x4b: {  	[sflag:s20] =	ssyncadd.s32 $0xFFFFC000  }
0x4c: {  	[tilespmem:s2], [sflag:$0x1] =	stream.linear.gather [hbm4b:s11+s2], $0x4000, $0x38;
	[tilespmem:$0xC800] =	vst v63  }
0x4d: {  	_ =	swait.ge [sflag:s20], $0x4000  }
0x4e: {  	[sflag:s20] =	ssyncset.done $0x0  }
0x4f: {  	[sflag:s20] =	ssyncadd.s32 $0xFFFFC000  }
0x50: {  	[hbm4b:s3+s22] =	stream.indirect.scatter [tilespmem:s2], [sflag:$0x1], $0x80, s26, s22, $0xb8;
	[tilespmem:$0xC800] =	vst v63  }
0x51: {  	_ =	swait.ge [sflag:s20], $0x4000  }
0x52: {  	[sflag:s20] =	ssyncset.done $0x0  }
0x53: {  	[sflag:s20] =	ssyncadd.s32 $0xFFFFC000  }
0x54: {  	[tilespmem:s2], [sflag:$0x1] =	stream.linear.gather [hbm4b:s12+s2], $0x4000, $0x38;
	[tilespmem:$0xC800] =	vst v63  }
0x55: {  	_ =	swait.ge [sflag:s20], $0x4000  }
0x56: {  	[sflag:s20] =	ssyncset.done $0x0  }
0x57: {  	[sflag:s20] =	ssyncadd.s32 $0xFFFFC000  }
0x58: {  	[hbm4b:s3+s22] =	stream.indirect.scatter [tilespmem:s2], [sflag:$0x1], $0x80, s28, s22, $0xb8;
	[tilespmem:$0xC800] =	vst v63  }
0x59: {  	_ =	swait.ge [sflag:s20], $0x4000  }
0x5a: {  	[sflag:s20] =	ssyncset.done $0x0  }
0x5b: {  	[sflag:s20] =	ssyncadd.s32 $0xFFFFC000  }
0x5c: {  	[tilespmem:s2], [sflag:$0x1] =	stream.linear.gather [hbm4b:s13+s2], $0x4000, $0x38;
	[tilespmem:$0xC800] =	vst v63  }
0x5d: {  	_ =	swait.ge [sflag:s20], $0x4000  }
0x5e: {  	[sflag:s20] =	ssyncset.done $0x0  }
0x5f: {  	[sflag:s20] =	ssyncadd.s32 $0xFFFFC000  }
0x60: {  	[hbm4b:s3+s22] =	stream.indirect.scatter [tilespmem:s2], [sflag:$0x1], $0x80, s29, s22, $0xb8;
	[tilespmem:$0xC800] =	vst v63  }
0x61: {  	_ =	swait.ge [sflag:s20], $0x4000  }
0x62: {  	[sflag:s20] =	ssyncset.done $0x0  }
0x63: {  	[sflag:s20] =	ssyncadd.s32 $0xFFFFC000  }
0x64: {  	[tilespmem:s2], [sflag:$0x1] =	stream.linear.gather [hbm4b:s14+s2], $0x4000, $0x38;
	[tilespmem:$0xC800] =	vst v63  }
0x65: {  	_ =	swait.ge [sflag:s20], $0x4000  }
0x66: {  	[sflag:s20] =	ssyncset.done $0x0  }
0x67: {  	[sflag:s20] =	ssyncadd.s32 $0xFFFFC000  }
0x68: {  	[hbm4b:s3+s22] =	stream.indirect.scatter [tilespmem:s2], [sflag:$0x1], $0x80, s30, s22, $0xb8;
	[tilespmem:$0xC800] =	vst v63  }
0x69: {  	_ =	swait.ge [sflag:s20], $0x4000  }
0x6a: {  	[sflag:s20] =	ssyncset.done $0x0  }
0x6b: {  	[sflag:s20] =	ssyncadd.s32 $0xFFFFC000  }
0x6c: {  	[tilespmem:s2], [sflag:$0x1] =	stream.linear.gather [hbm4b:s15+s2], $0x4000, $0x38;
	[tilespmem:$0xC800] =	vst v63  }
0x6d: {  	_ =	swait.ge [sflag:s20], $0x4000  }
0x6e: {  	[sflag:s20] =	ssyncset.done $0x0  }
0x6f: {  	[sflag:s20] =	ssyncadd.s32 $0xFFFFC000  }
0x70: {  	[hbm4b:s3+s22] =	stream.indirect.scatter [tilespmem:s2], [sflag:$0x1], $0x80, s31, s22, $0xb8;
	[tilespmem:$0xC800] =	vst v63  }
0x71: {  	_ =	swait.ge [sflag:s20], $0x4000  }
0x72: {  	[sflag:s20] =	ssyncset.done $0x0  }
0x73: {  	[sflag:s20] =	ssyncadd.s32 $0xFFFFC000  }
0x74: {  	[tilespmem:s2], [sflag:$0x1] =	stream.linear.gather [hbm4b:s16+s2], $0x4000, $0x38;
	[tilespmem:$0xC800] =	vst v63  }
0x75: {  	s1 =	sadd.s32 $0x1, s1;
	_ =	swait.ge [sflag:s20], $0x4000  }
0x76: {  	p0 =	sne.s32 s1, s17;
	[sflag:s20] =	ssyncset.done $0x0  }
.Ltmp1:
0x77: {  	[sflag:s20] =	ssyncadd.s32 $0xFFFFC000;
	(pc) =	sbr.rel @p0 .LBB2_1-.Ltmp1, $4  }
0x78: {  	[hbm4b:s3+s22] =	stream.indirect.scatter [tilespmem:s2], [sflag:$0x1], $0x80, s0, s22, $0xb8;
	[tilespmem:$0xC800] =	vst v63  }
0x79: {  	_ =	swait.ge [sflag:s20], $0x4000  }
0x7a: {  	[sflag:s20] =	ssyncset.done $0x0  }
0x7b: {  	[sflag:s20] =	ssyncadd.s32 $0xFFFFC000  }
0x7c: {  	_ =	sfence.sel $0x180000  }
0x7d: {  	[bflag:$0x0] =	sbarrier.arrive $0xFFFF  }
0x7e: {  	_ =	strace $0x90000047  }
0x7f: {  	s0 =	stileid.u32;
	[bflag:$0x2] =	sbarrier.arrive $0xFFFF  }
0x80: {  	p0 =	sne.s32 s0, $0x0;
	s0 =	rddreg [dreg:$0x2]  }
0x81: {  	s0 =	sadd.s32 @!p0 $0x100000, s0  }
0x82: {  	[sflag:s0] =	ssyncadd.tile.s32 @!p0 $0x1;
	_ =	shalt  }
.Lfunc_end2:
_tile_overlayer_lowered:
.L_overlay_start_2:
0x83: {  	(tag) =	ssettag $0x2  }
0x84: {  	s0 =	rddreg [dreg:$0x0];
	s2 =	stileid.u32  }
0x85: {  	s1 =	rddreg [dreg:$0x1];
	p0 =	sne.s32 s2, $0x0  }
0x86: {  	s3 =	rddreg [dreg:$0x2];
	[bflag:$0x3] =	sbarrier.arrive $0xFFFF;
	s2 =	simm.s32 @!p0 $0x1C01  }
0x87: {  	[timem:s3], [sflag:s2] =	dma.local @!p0 [hbm:s0], s1  }
0x88: {  	s0 =	simm.s32 @!p0 $0x1  }
0x89: {  	_ =	swait.ge @!p0 [sflag:s0], s1  }
0x8a: {  	s1 =	ssub.s32 @!p0 $0x0, s1;
	[sflag:s0] =	ssyncset.done @!p0 $0x0  }
0x8b: {  	[sflag:s0] =	ssyncadd.s32 @!p0 s1  }
0x8c: {  	[bflag:$0x3] =	sbarrier.arrive $0xFFFF  }
0x8d: {  	_ =	shalt  }

</sc_bundles>
